<compile_context>
chip_gen: v7x
topology: tpu7x:2x2x1
jax: 0.10.2.dev20260603
libtpu: 0.0.44.dev20260713+nightly
codegen_flags: <defaults>
</compile_context>

<pallas_src>
import functools

import jax
import jax.numpy as jnp
from jax import lax
from jax.experimental import pallas as pl
from jax.experimental.pallas import tpu as pltpu
from jax.experimental.pallas import tpu_sc as plsc

N = 10000
D = 128
E = 320000
NC, NS, NW = 2, 16, 32
CH = 128
NCHUNK = E // CH
NROUND = NCHUNK // NW
NPAIR = NROUND // 2
XTRA = NCHUNK - NROUND * NW
WR = 624
WR_LAST = N - 15 * WR


@functools.cache
def _sc_kernels():
    mesh = plsc.VectorSubcoreMesh(core_axis_name="c", subcore_axis_name="s",
                                  num_cores=NC, num_subcores=NS)

    def _zero_acc(s, zeros_hbm, acc):
        @pl.when(s < NS - 1)
        def _zero():
            pltpu.sync_copy(zeros_hbm.at[pl.ds(0, WR)],
                            acc.at[pl.ds(s * WR, WR)])

        @pl.when(s == NS - 1)
        def _zero_last():
            pltpu.sync_copy(zeros_hbm, acc.at[pl.ds(15 * WR, WR_LAST)])

    def _writeout(c, s, acc, out_hbm):
        @pl.when(s < NS - 1)
        def _wout():
            pltpu.sync_copy(acc.at[pl.ds(s * WR, WR)],
                            out_hbm.at[pl.ds(c * N + s * WR, WR)])

        @pl.when(s == NS - 1)
        def _wout_last():
            pltpu.sync_copy(acc.at[pl.ds(15 * WR, WR_LAST)],
                            out_hbm.at[pl.ds(c * N + 15 * WR, WR_LAST)])

    @functools.partial(
        pl.kernel,
        out_type=jax.ShapeDtypeStruct((NC * N, D), jnp.float32),
        mesh=mesh,
        scratch_types=[
            pltpu.VMEM((2, CH), jnp.int32),
            pltpu.VMEM((2, CH), jnp.int32),
            pltpu.VMEM((CH, D), jnp.float32),
            pltpu.VMEM_SHARED((N, D), jnp.float32),
            pltpu.SemaphoreType.DMA,
            pltpu.SemaphoreType.DMA,
        ],
    )
    def deg_kernel(ei_hbm, zeros_hbm, ones_hbm, out_hbm,
                   ip0, ip1, ones_v, acc, ss0, ss1):
        c = lax.axis_index("c")
        s = lax.axis_index("s")
        w = c * NS + s
        _zero_acc(s, zeros_hbm, acc)
        pltpu.sync_copy(ones_hbm, ones_v)
        plsc.subcore_barrier()

        pltpu.sync_copy(ei_hbm.at[:, pl.ds(w * CH, CH)], ip0)

        @pl.loop(0, NPAIR)
        def _pair(k):
            off = (2 * k * NW + w) * CH
            pltpu.async_copy(ones_v, acc.at[ip0.at[1]], ss0, add=True)

            @pl.when(k > 0)
            def _drain_odd():
                pltpu.make_async_copy(ones_v, acc.at[ip1.at[1]], ss1).wait()

            pltpu.sync_copy(ei_hbm.at[:, pl.ds(off + NW * CH, CH)], ip1)
            pltpu.async_copy(ones_v, acc.at[ip1.at[1]], ss1, add=True)

            @pl.when(k < NPAIR - 1)
            def _prefetch_even():
                pltpu.make_async_copy(ones_v, acc.at[ip0.at[1]], ss0).wait()
                pltpu.sync_copy(ei_hbm.at[:, pl.ds(off + 2 * NW * CH, CH)],
                                ip0)

        pltpu.make_async_copy(ones_v, acc.at[ip0.at[1]], ss0).wait()
        pltpu.make_async_copy(ones_v, acc.at[ip1.at[1]], ss1).wait()

        @pl.when(w < XTRA)
        def _extra():
            pltpu.sync_copy(ei_hbm.at[:, pl.ds((NROUND * NW + w) * CH, CH)],
                            ip0)
            pltpu.sync_copy(ones_v, acc.at[ip0.at[1]], add=True)

        plsc.subcore_barrier()
        _writeout(c, s, acc, out_hbm)

    @functools.partial(
        pl.kernel,
        out_type=jax.ShapeDtypeStruct((NC * N, D), jnp.float32),
        mesh=mesh,
        scratch_types=[
            pltpu.VMEM((2, CH), jnp.int32),
            pltpu.VMEM((2, CH), jnp.int32),
            pltpu.VMEM((CH, D), jnp.float32),
            pltpu.VMEM((CH, D), jnp.float32),
            pltpu.VMEM_SHARED((N, D), jnp.float32),
            pltpu.SemaphoreType.DMA,
            pltpu.SemaphoreType.DMA,
            pltpu.SemaphoreType.DMA,
            pltpu.SemaphoreType.DMA,
        ],
    )
    def scatter_kernel(g_hbm, ei_hbm, zeros_hbm, out_hbm,
                       ip0, ip1, rows0, rows1, acc, gs0, gs1, ss0, ss1):
        c = lax.axis_index("c")
        s = lax.axis_index("s")
        w = c * NS + s
        _zero_acc(s, zeros_hbm, acc)
        plsc.subcore_barrier()

        pltpu.sync_copy(ei_hbm.at[:, pl.ds(w * CH, CH)], ip0)
        pltpu.async_copy(g_hbm.at[ip0.at[0]], rows0, gs0)

        @pl.loop(0, NPAIR)
        def _pair(k):
            off = (2 * k * NW + w) * CH

            @pl.when(k > 0)
            def _drain_prev_odd():
                pltpu.make_async_copy(rows1, acc.at[ip1.at[1]], ss1).wait()

            pltpu.sync_copy(ei_hbm.at[:, pl.ds(off + NW * CH, CH)], ip1)
            pltpu.async_copy(g_hbm.at[ip1.at[0]], rows1, gs1)
            pltpu.make_async_copy(g_hbm.at[ip0.at[0]], rows0, gs0).wait()
            pltpu.async_copy(rows0, acc.at[ip0.at[1]], ss0, add=True)

            @pl.when(k < NPAIR - 1)
            def _prefetch_even():
                pltpu.make_async_copy(rows0, acc.at[ip0.at[1]], ss0).wait()
                pltpu.sync_copy(ei_hbm.at[:, pl.ds(off + 2 * NW * CH, CH)],
                                ip0)
                pltpu.async_copy(g_hbm.at[ip0.at[0]], rows0, gs0)

            pltpu.make_async_copy(g_hbm.at[ip1.at[0]], rows1, gs1).wait()
            pltpu.async_copy(rows1, acc.at[ip1.at[1]], ss1, add=True)

        pltpu.make_async_copy(rows0, acc.at[ip0.at[1]], ss0).wait()
        pltpu.make_async_copy(rows1, acc.at[ip1.at[1]], ss1).wait()

        @pl.when(w < XTRA)
        def _extra():
            pltpu.sync_copy(ei_hbm.at[:, pl.ds((NROUND * NW + w) * CH, CH)],
                            ip0)
            pltpu.async_copy(g_hbm.at[ip0.at[0]], rows0, gs0).wait()
            pltpu.sync_copy(rows0, acc.at[ip0.at[1]], add=True)

        plsc.subcore_barrier()
        _writeout(c, s, acc, out_hbm)

    return deg_kernel, scatter_kernel


BLK = 2000


def _dinv_of(dp):
    return lax.rsqrt(dp[0, :, 0:1] + dp[1, :, 0:1] + 1.0)


def _m1_body(x_ref, w_ref, dp_ref, g_ref):
    dinv = _dinv_of(dp_ref[...])
    g_ref[...] = dinv * jnp.dot(x_ref[...], w_ref[...],
                                preferred_element_type=jnp.float32)


def _m2_body(p_ref, g1_ref, dp_ref, b_ref, w_ref, g2_ref):
    dinv = _dinv_of(dp_ref[...])
    p = p_ref[...]
    z = jnp.maximum(dinv * (p[0] + p[1] + g1_ref[...]) + b_ref[...], 0.0)
    g2_ref[...] = dinv * jnp.dot(z, w_ref[...],
                                 preferred_element_type=jnp.float32)


def _m3_body(p_ref, g2_ref, dp_ref, b_ref, o_ref):
    dinv = _dinv_of(dp_ref[...])
    p = p_ref[...]
    o_ref[...] = dinv * (p[0] + p[1] + g2_ref[...]) + b_ref[...]


def _row_spec(blk=BLK):
    return pl.BlockSpec((blk, D), lambda i: (i, 0))


def _m1_call(x, W1, degp):
    return pl.pallas_call(
        _m1_body,
        grid=(N // BLK,),
        in_specs=[
            _row_spec(),
            pl.BlockSpec((D, D), lambda i: (0, 0)),
            pl.BlockSpec((2, BLK, D), lambda i: (0, i, 0)),
        ],
        out_specs=_row_spec(),
        out_shape=jax.ShapeDtypeStruct((N, D), jnp.float32),
    )(x, W1, degp)


def _m2_call(P1, g1, degp, b1, W2):
    return pl.pallas_call(
        _m2_body,
        grid=(N // BLK,),
        in_specs=[
            pl.BlockSpec((2, BLK, D), lambda i: (0, i, 0)),
            _row_spec(),
            pl.BlockSpec((2, BLK, D), lambda i: (0, i, 0)),
            pl.BlockSpec((1, D), lambda i: (0, 0)),
            pl.BlockSpec((D, D), lambda i: (0, 0)),
        ],
        out_specs=_row_spec(),
        out_shape=jax.ShapeDtypeStruct((N, D), jnp.float32),
    )(P1, g1, degp, b1, W2)


def _m3_call(P2, g2, degp, b2):
    return pl.pallas_call(
        _m3_body,
        grid=(N // BLK,),
        in_specs=[
            pl.BlockSpec((2, BLK, D), lambda i: (0, i, 0)),
            _row_spec(),
            pl.BlockSpec((2, BLK, D), lambda i: (0, i, 0)),
            pl.BlockSpec((1, D), lambda i: (0, 0)),
        ],
        out_specs=_row_spec(),
        out_shape=jax.ShapeDtypeStruct((N, D), jnp.float32),
    )(P2, g2, degp, b2)


def kernel(x, edge_index, W1, b1, W2, b2):
    deg_kernel, scatter_kernel = _sc_kernels()
    zerosD = jnp.zeros((WR_LAST, D), jnp.float32)
    onesD = jnp.ones((CH, D), jnp.float32)

    degp = deg_kernel(edge_index, zerosD, onesD).reshape(NC, N, D)
    g1 = _m1_call(x, W1, degp)
    P1 = scatter_kernel(g1, edge_index, zerosD).reshape(NC, N, D)
    g2 = _m2_call(P1, g1, degp, b1.reshape(1, D), W2)
    P2 = scatter_kernel(g2, edge_index, zerosD).reshape(NC, N, D)
    out = _m3_call(P2, g2, degp, b2.reshape(1, D))
    return out

# --- scband reference (transcript-rebuilt; emitter-appended) ---
"""Pipeline reference for scband-gcn-10170482556975 (READ-ONLY COPY).

The authoritative reference and input builder live on the scoring server;
editing this copy changes nothing except your own understanding.
"""

import jax, jax.numpy as jnp
import numpy as np

N_NODES = 10000
D = 128
N_EDGES = 320000


def gcn_conv(x, edge_index, W, b):
    n = x.shape[0]
    src = edge_index[0]
    dst = edge_index[1]
    loop = jnp.arange(n, dtype=src.dtype)
    src = jnp.concatenate([src, loop])
    dst = jnp.concatenate([dst, loop])
    deg = jnp.zeros((n,), dtype=x.dtype).at[dst].add(1.0)
    dinv = jnp.where(deg > 0, deg ** -0.5, 0.0)
    norm = dinv[src] * dinv[dst]
    h = x @ W
    msg = norm[:, None] * h[src]
    out = jnp.zeros_like(h).at[dst].add(msg)
    return out + b


def setup_inputs(seed: int = 0) -> dict:
    key = jax.random.key(seed)
    k1, k2, k3, k4 = jax.random.split(key, 4)
    x = jax.random.normal(k1, (N_NODES, D), dtype=jnp.float32)
    edge_index = jax.random.randint(k2, (2, N_EDGES), 0, N_NODES, dtype=jnp.int32)
    W1 = jax.random.normal(k3, (D, D), dtype=jnp.float32) * (1.0 / np.sqrt(D))
    b1 = jnp.zeros((D,), dtype=jnp.float32)
    W2 = jax.random.normal(k4, (D, D), dtype=jnp.float32) * (1.0 / np.sqrt(D))
    b2 = jnp.zeros((D,), dtype=jnp.float32)
    return {"x": x, "edge_index": edge_index, "W1": W1, "b1": b1, "W2": W2, "b2": b2}


def reference(x, edge_index, W1, b1, W2, b2):
    h = gcn_conv(x, edge_index, W1, b1)
    h = jax.nn.relu(h)
    out = gcn_conv(h, edge_index, W2, b2)
    return out

if __name__ == "__main__":
    import jax
    _d = setup_inputs()
    print(jax.jit(kernel)(*tuple(_d.values())))

</pallas_src>

<mosaic_0001>
#map = affine_map<(d0, d1) -> (0, 0)>
module attributes {stable_mosaic.version = 14 : i64} {
  func.func @scatter_kernel(%arg0: i32, %arg1: i32, %arg2: memref<10000x128xf32, #tpu.memory_space<hbm>>, %arg3: memref<2x320000xi32, #tpu.memory_space<hbm>>, %arg4: memref<640x128xf32, #tpu.memory_space<hbm>>, %arg5: memref<20000x128xf32, #tpu.memory_space<hbm>>, %arg6: memref<2x128xi32, #tpu.memory_space<vmem>>, %arg7: memref<2x128xi32, #tpu.memory_space<vmem>>, %arg8: memref<128x128xf32, #tpu.memory_space<vmem>>, %arg9: memref<128x128xf32, #tpu.memory_space<vmem>>, %arg10: memref<10000x128xf32, #tpu.memory_space<vmem_shared>>, %arg11: memref<!tpu.dma_semaphore, #tpu.memory_space<semaphore_mem>>, %arg12: memref<!tpu.dma_semaphore, #tpu.memory_space<semaphore_mem>>, %arg13: memref<!tpu.dma_semaphore, #tpu.memory_space<semaphore_mem>>, %arg14: memref<!tpu.dma_semaphore, #tpu.memory_space<semaphore_mem>>) attributes {dimension_semantics = [#tpu.dimension_semantics<core_parallel>, #tpu.dimension_semantics<subcore_parallel>], iteration_bounds = array<i64: 2, 16>, scalar_prefetch = 0 : i64, scratch_operands = 9 : i64, tpu.core_type = #tpu.core_type<sc_vector_subcore>, window_params = [{transform_indices = #map}, {transform_indices = #map}, {transform_indices = #map}, {transform_indices = #map}]} {
    %mul3A = arith.constant 16 : i32
    %mul3A_0 = arith.muli %arg0, %mul3A : i32
    %add3A = arith.addi %mul3A_0, %arg1 : i32
    %lt3A = arith.constant 15 : i32
    %lt3A_1 = arith.cmpi slt, %arg1, %lt3A : i32
    %convert_element_type3A = arith.extui %lt3A_1 : i1 to i32
    %cond3A = arith.constant 0 : i32
    %cond3A_2 = arith.cmpi ne, %convert_element_type3A, %cond3A : i32
    scf.if %cond3A_2 {
      %mul3A_48 = arith.constant 624 : i32
      %mul3A_49 = arith.muli %arg1, %mul3A_48 : i32
      "tpu.region"() ({
        %run_scoped3A = tpu.sem_alloc : memref<!tpu.dma_semaphore, #tpu.memory_space<semaphore_mem>>
        %dma_start3A_50 = arith.constant 0 : i32
        %dma_start3A_51 = tpu.memref_slice %arg10[%mul3A_49, %dma_start3A_50] : memref<10000x128xf32, #tpu.memory_space<vmem_shared>> -> memref<624x128xf32, #tpu.memory_space<vmem_shared>>
        %dma_start3A_52 = arith.constant 0 : i32
        %dma_start3A_53 = arith.constant 0 : i32
        %dma_start3A_54 = tpu.memref_slice %arg4[%dma_start3A_52, %dma_start3A_53] : memref<640x128xf32, #tpu.memory_space<hbm>> -> memref<624x128xf32, #tpu.memory_space<hbm>>
        tpu.enqueue_dma source(%dma_start3A_54 : memref<624x128xf32, #tpu.memory_space<hbm>>) target(%dma_start3A_51 : memref<624x128xf32, #tpu.memory_space<vmem_shared>>) target_semaphore(%run_scoped3A : memref<!tpu.dma_semaphore, #tpu.memory_space<semaphore_mem>>)
        %dma_wait3A_55 = arith.constant 0 : i32
        %dma_wait3A_56 = tpu.memref_slice %arg10[%mul3A_49, %dma_wait3A_55] : memref<10000x128xf32, #tpu.memory_space<vmem_shared>> -> memref<624x128xf32, #tpu.memory_space<vmem_shared>>
        %dma_wait3A_57 = arith.constant 0 : i32
        %dma_wait3A_58 = arith.constant 0 : i32
        %dma_wait3A_59 = tpu.memref_slice %arg4[%dma_wait3A_57, %dma_wait3A_58] : memref<640x128xf32, #tpu.memory_space<hbm>> -> memref<624x128xf32, #tpu.memory_space<hbm>>
        tpu.wait_dma2 semaphore(%run_scoped3A : memref<!tpu.dma_semaphore, #tpu.memory_space<semaphore_mem>>) src(%dma_wait3A_59 : memref<624x128xf32, #tpu.memory_space<hbm>>) dst(%dma_wait3A_56 : memref<624x128xf32, #tpu.memory_space<vmem_shared>>)
        tpu.yield
      }) : () -> ()
    } else {
    }
    %eq3A = arith.constant 15 : i32
    %eq3A_3 = arith.cmpi eq, %arg1, %eq3A : i32
    %convert_element_type3A_4 = arith.extui %eq3A_3 : i1 to i32
    %cond3A_5 = arith.constant 0 : i32
    %cond3A_6 = arith.cmpi ne, %convert_element_type3A_4, %cond3A_5 : i32
    scf.if %cond3A_6 {
      "tpu.region"() ({
        %run_scoped3A = tpu.sem_alloc : memref<!tpu.dma_semaphore, #tpu.memory_space<semaphore_mem>>
        %dma_start3A_48 = arith.constant 9360 : i32
        %dma_start3A_49 = arith.constant 0 : i32
        %dma_start3A_50 = tpu.memref_slice %arg10[%dma_start3A_48, %dma_start3A_49] : memref<10000x128xf32, #tpu.memory_space<vmem_shared>> -> memref<640x128xf32, #tpu.memory_space<vmem_shared>>
        tpu.enqueue_dma source(%arg4 : memref<640x128xf32, #tpu.memory_space<hbm>>) target(%dma_start3A_50 : memref<640x128xf32, #tpu.memory_space<vmem_shared>>) target_semaphore(%run_scoped3A : memref<!tpu.dma_semaphore, #tpu.memory_space<semaphore_mem>>)
        %dma_wait3A_51 = arith.constant 9360 : i32
        %dma_wait3A_52 = arith.constant 0 : i32
        %dma_wait3A_53 = tpu.memref_slice %arg10[%dma_wait3A_51, %dma_wait3A_52] : memref<10000x128xf32, #tpu.memory_space<vmem_shared>> -> memref<640x128xf32, #tpu.memory_space<vmem_shared>>
        tpu.wait_dma2 semaphore(%run_scoped3A : memref<!tpu.dma_semaphore, #tpu.memory_space<semaphore_mem>>) src(%arg4 : memref<640x128xf32, #tpu.memory_space<hbm>>) dst(%dma_wait3A_53 : memref<640x128xf32, #tpu.memory_space<vmem_shared>>)
        tpu.yield
      }) : () -> ()
    } else {
    }
    %barrier3A = arith.constant 0 : index
    tpu.barrier barrier_id(%barrier3A)
    %mul3A_7 = arith.constant 128 : i32
    %mul3A_8 = arith.muli %add3A, %mul3A_7 : i32
    "tpu.region"() ({
      %run_scoped3A = tpu.sem_alloc : memref<!tpu.dma_semaphore, #tpu.memory_space<semaphore_mem>>
      %dma_start3A_48 = arith.constant 0 : i32
      %dma_start3A_49 = tpu.memref_slice %arg3[%dma_start3A_48, %mul3A_8] : memref<2x320000xi32, #tpu.memory_space<hbm>> -> memref<2x128xi32, #tpu.memory_space<hbm>>
      %dma_start3A_50 = arith.constant 0 : i32
      %dma_start3A_51 = tpu.memref_slice %arg3[%dma_start3A_50, %mul3A_8] : memref<2x320000xi32, #tpu.memory_space<hbm>> -> memref<2x128xi32, #tpu.memory_space<hbm>>
      tpu.enqueue_dma source(%dma_start3A_51 : memref<2x128xi32, #tpu.memory_space<hbm>>) target(%arg6 : memref<2x128xi32, #tpu.memory_space<vmem>>) target_semaphore(%run_scoped3A : memref<!tpu.dma_semaphore, #tpu.memory_space<semaphore_mem>>)
      %dma_wait3A_52 = arith.constant 0 : i32
      %dma_wait3A_53 = tpu.memref_slice %arg3[%dma_wait3A_52, %mul3A_8] : memref<2x320000xi32, #tpu.memory_space<hbm>> -> memref<2x128xi32, #tpu.memory_space<hbm>>
      %dma_wait3A_54 = arith.constant 0 : i32
      %dma_wait3A_55 = tpu.memref_slice %arg3[%dma_wait3A_54, %mul3A_8] : memref<2x320000xi32, #tpu.memory_space<hbm>> -> memref<2x128xi32, #tpu.memory_space<hbm>>
      tpu.wait_dma2 semaphore(%run_scoped3A : memref<!tpu.dma_semaphore, #tpu.memory_space<semaphore_mem>>) src(%dma_wait3A_55 : memref<2x128xi32, #tpu.memory_space<hbm>>) dst(%arg6 : memref<2x128xi32, #tpu.memory_space<vmem>>)
      tpu.yield
    }) : () -> ()
    %dma_start3A = arith.constant 0 : i32
    %dma_start3A_9 = arith.constant 0 : i32
    %dma_start3A_10 = tpu.memref_slice %arg6[%dma_start3A, %dma_start3A_9] : memref<2x128xi32, #tpu.memory_space<vmem>> -> memref<1x128xi32, #tpu.memory_space<vmem>>
    %dma_start3A_11 = tpu.memref_squeeze %dma_start3A_10 : memref<1x128xi32, #tpu.memory_space<vmem>> -> memref<128xi32, #tpu.memory_space<vmem>>
    %dma_start3A_12 = arith.constant 0 : i32
    %dma_start3A_13 = arith.constant 0 : i32
    %dma_start3A_14 = tpu.memref_slice %arg2[%dma_start3A_12, %dma_start3A_13] : memref<10000x128xf32, #tpu.memory_space<hbm>> -> memref<10000x128xf32, #tpu.memory_space<hbm>>
    tpu.enqueue_indirect_dma source(%dma_start3A_14 : memref<10000x128xf32, #tpu.memory_space<hbm>>) target(%arg8 : memref<128x128xf32, #tpu.memory_space<vmem>>) offsets(%dma_start3A_11 : memref<128xi32, #tpu.memory_space<vmem>>) semaphore(%arg11 : memref<!tpu.dma_semaphore, #tpu.memory_space<semaphore_mem>>)
    %scan3A = arith.constant 0 : i32
    %scan3A_15 = arith.constant 39 : i32
    %scan3A_16 = arith.addi %scan3A, %scan3A_15 : i32
    %scan3A_17 = arith.constant 1 : i32
    scf.for %scan3A_48 = %scan3A to %scan3A_16 step %scan3A_17  : i32 {
      %mul3A_49 = arith.constant 1 : i32
      %mul3A_50 = arith.muli %scan3A_48, %mul3A_49 : i32
      %add3A_51 = arith.constant 0 : i32
      %add3A_52 = arith.addi %add3A_51, %mul3A_50 : i32
      %mul3A_53 = arith.constant 2 : i32
      %mul3A_54 = arith.muli %mul3A_53, %add3A_52 : i32
      %mul3A_55 = arith.constant 32 : i32
      %mul3A_56 = arith.muli %mul3A_54, %mul3A_55 : i32
      %add3A_57 = arith.addi %mul3A_56, %add3A : i32
      %mul3A_58 = arith.constant 128 : i32
      %mul3A_59 = arith.muli %add3A_57, %mul3A_58 : i32
      %gt3A = arith.constant 0 : i32
      %gt3A_60 = arith.cmpi sgt, %add3A_52, %gt3A : i32
      %convert_element_type3A_61 = arith.extui %gt3A_60 : i1 to i32
      %cond3A_62 = arith.constant 0 : i32
      %cond3A_63 = arith.cmpi ne, %convert_element_type3A_61, %cond3A_62 : i32
      scf.if %cond3A_63 {
        %dma_wait3A_106 = arith.constant 1 : i32
        %dma_wait3A_107 = arith.constant 0 : i32
        %dma_wait3A_108 = tpu.memref_slice %arg7[%dma_wait3A_106, %dma_wait3A_107] : memref<2x128xi32, #tpu.memory_space<vmem>> -> memref<1x128xi32, #tpu.memory_space<vmem>>
        %dma_wait3A_109 = tpu.memref_squeeze %dma_wait3A_108 : memref<1x128xi32, #tpu.memory_space<vmem>> -> memref<128xi32, #tpu.memory_space<vmem>>
        %dma_wait3A_110 = arith.constant 0 : i32
        %dma_wait3A_111 = arith.constant 0 : i32
        %dma_wait3A_112 = tpu.memref_slice %arg10[%dma_wait3A_110, %dma_wait3A_111] : memref<10000x128xf32, #tpu.memory_space<vmem_shared>> -> memref<10000x128xf32, #tpu.memory_space<vmem_shared>>
        tpu.wait_indirect_dma semaphore(%arg14 : memref<!tpu.dma_semaphore, #tpu.memory_space<semaphore_mem>>) src(%arg9 : memref<128x128xf32, #tpu.memory_space<vmem>>) dst(%dma_wait3A_112 : memref<10000x128xf32, #tpu.memory_space<vmem_shared>>)
      } else {
      }
      %add3A_64 = arith.constant 4096 : i32
      %add3A_65 = arith.addi %mul3A_59, %add3A_64 : i32
      "tpu.region"() ({
        %run_scoped3A = tpu.sem_alloc : memref<!tpu.dma_semaphore, #tpu.memory_space<semaphore_mem>>
        %dma_start3A_106 = arith.constant 0 : i32
        %dma_start3A_107 = tpu.memref_slice %arg3[%dma_start3A_106, %add3A_65] : memref<2x320000xi32, #tpu.memory_space<hbm>> -> memref<2x128xi32, #tpu.memory_space<hbm>>
        %dma_start3A_108 = arith.constant 0 : i32
        %dma_start3A_109 = tpu.memref_slice %arg3[%dma_start3A_108, %add3A_65] : memref<2x320000xi32, #tpu.memory_space<hbm>> -> memref<2x128xi32, #tpu.memory_space<hbm>>
        tpu.enqueue_dma source(%dma_start3A_109 : memref<2x128xi32, #tpu.memory_space<hbm>>) target(%arg7 : memref<2x128xi32, #tpu.memory_space<vmem>>) target_semaphore(%run_scoped3A : memref<!tpu.dma_semaphore, #tpu.memory_space<semaphore_mem>>)
        %dma_wait3A_110 = arith.constant 0 : i32
        %dma_wait3A_111 = tpu.memref_slice %arg3[%dma_wait3A_110, %add3A_65] : memref<2x320000xi32, #tpu.memory_space<hbm>> -> memref<2x128xi32, #tpu.memory_space<hbm>>
        %dma_wait3A_112 = arith.constant 0 : i32
        %dma_wait3A_113 = tpu.memref_slice %arg3[%dma_wait3A_112, %add3A_65] : memref<2x320000xi32, #tpu.memory_space<hbm>> -> memref<2x128xi32, #tpu.memory_space<hbm>>
        tpu.wait_dma2 semaphore(%run_scoped3A : memref<!tpu.dma_semaphore, #tpu.memory_space<semaphore_mem>>) src(%dma_wait3A_113 : memref<2x128xi32, #tpu.memory_space<hbm>>) dst(%arg7 : memref<2x128xi32, #tpu.memory_space<vmem>>)
        tpu.yield
      }) : () -> ()
      %dma_start3A_66 = arith.constant 0 : i32
      %dma_start3A_67 = arith.constant 0 : i32
      %dma_start3A_68 = tpu.memref_slice %arg7[%dma_start3A_66, %dma_start3A_67] : memref<2x128xi32, #tpu.memory_space<vmem>> -> memref<1x128xi32, #tpu.memory_space<vmem>>
      %dma_start3A_69 = tpu.memref_squeeze %dma_start3A_68 : memref<1x128xi32, #tpu.memory_space<vmem>> -> memref<128xi32, #tpu.memory_space<vmem>>
      %dma_start3A_70 = arith.constant 0 : i32
      %dma_start3A_71 = arith.constant 0 : i32
      %dma_start3A_72 = tpu.memref_slice %arg2[%dma_start3A_70, %dma_start3A_71] : memref<10000x128xf32, #tpu.memory_space<hbm>> -> memref<10000x128xf32, #tpu.memory_space<hbm>>
      tpu.enqueue_indirect_dma source(%dma_start3A_72 : memref<10000x128xf32, #tpu.memory_space<hbm>>) target(%arg9 : memref<128x128xf32, #tpu.memory_space<vmem>>) offsets(%dma_start3A_69 : memref<128xi32, #tpu.memory_space<vmem>>) semaphore(%arg12 : memref<!tpu.dma_semaphore, #tpu.memory_space<semaphore_mem>>)
      %dma_wait3A_73 = arith.constant 0 : i32
      %dma_wait3A_74 = arith.constant 0 : i32
      %dma_wait3A_75 = tpu.memref_slice %arg6[%dma_wait3A_73, %dma_wait3A_74] : memref<2x128xi32, #tpu.memory_space<vmem>> -> memref<1x128xi32, #tpu.memory_space<vmem>>
      %dma_wait3A_76 = tpu.memref_squeeze %dma_wait3A_75 : memref<1x128xi32, #tpu.memory_space<vmem>> -> memref<128xi32, #tpu.memory_space<vmem>>
      %dma_wait3A_77 = arith.constant 0 : i32
      %dma_wait3A_78 = arith.constant 0 : i32
      %dma_wait3A_79 = tpu.memref_slice %arg2[%dma_wait3A_77, %dma_wait3A_78] : memref<10000x128xf32, #tpu.memory_space<hbm>> -> memref<10000x128xf32, #tpu.memory_space<hbm>>
      tpu.wait_indirect_dma semaphore(%arg11 : memref<!tpu.dma_semaphore, #tpu.memory_space<semaphore_mem>>) src(%dma_wait3A_79 : memref<10000x128xf32, #tpu.memory_space<hbm>>) dst(%arg8 : memref<128x128xf32, #tpu.memory_space<vmem>>)
      %dma_start3A_80 = arith.constant 1 : i32
      %dma_start3A_81 = arith.constant 0 : i32
      %dma_start3A_82 = tpu.memref_slice %arg6[%dma_start3A_80, %dma_start3A_81] : memref<2x128xi32, #tpu.memory_space<vmem>> -> memref<1x128xi32, #tpu.memory_space<vmem>>
      %dma_start3A_83 = tpu.memref_squeeze %dma_start3A_82 : memref<1x128xi32, #tpu.memory_space<vmem>> -> memref<128xi32, #tpu.memory_space<vmem>>
      %dma_start3A_84 = arith.constant 0 : i32
      %dma_start3A_85 = arith.constant 0 : i32
      %dma_start3A_86 = tpu.memref_slice %arg10[%dma_start3A_84, %dma_start3A_85] : memref<10000x128xf32, #tpu.memory_space<vmem_shared>> -> memref<10000x128xf32, #tpu.memory_space<vmem_shared>>
      tpu.enqueue_indirect_dma source(%arg8 : memref<128x128xf32, #tpu.memory_space<vmem>>) target(%dma_start3A_86 : memref<10000x128xf32, #tpu.memory_space<vmem_shared>>) offsets(%dma_start3A_83 : memref<128xi32, #tpu.memory_space<vmem>>) semaphore(%arg13 : memref<!tpu.dma_semaphore, #tpu.memory_space<semaphore_mem>>) {add = true}
      %lt3A_87 = arith.constant 38 : i32
      %lt3A_88 = arith.cmpi slt, %add3A_52, %lt3A_87 : i32
      %convert_element_type3A_89 = arith.extui %lt3A_88 : i1 to i32
      %cond3A_90 = arith.constant 0 : i32
      %cond3A_91 = arith.cmpi ne, %convert_element_type3A_89, %cond3A_90 : i32
      scf.if %cond3A_91 {
        %dma_wait3A_106 = arith.constant 1 : i32
        %dma_wait3A_107 = arith.constant 0 : i32
        %dma_wait3A_108 = tpu.memref_slice %arg6[%dma_wait3A_106, %dma_wait3A_107] : memref<2x128xi32, #tpu.memory_space<vmem>> -> memref<1x128xi32, #tpu.memory_space<vmem>>
        %dma_wait3A_109 = tpu.memref_squeeze %dma_wait3A_108 : memref<1x128xi32, #tpu.memory_space<vmem>> -> memref<128xi32, #tpu.memory_space<vmem>>
        %dma_wait3A_110 = arith.constant 0 : i32
        %dma_wait3A_111 = arith.constant 0 : i32
        %dma_wait3A_112 = tpu.memref_slice %arg10[%dma_wait3A_110, %dma_wait3A_111] : memref<10000x128xf32, #tpu.memory_space<vmem_shared>> -> memref<10000x128xf32, #tpu.memory_space<vmem_shared>>
        tpu.wait_indirect_dma semaphore(%arg13 : memref<!tpu.dma_semaphore, #tpu.memory_space<semaphore_mem>>) src(%arg8 : memref<128x128xf32, #tpu.memory_space<vmem>>) dst(%dma_wait3A_112 : memref<10000x128xf32, #tpu.memory_space<vmem_shared>>)
        %add3A_113 = arith.constant 8192 : i32
        %add3A_114 = arith.addi %mul3A_59, %add3A_113 : i32
        "tpu.region"() ({
          %run_scoped3A = tpu.sem_alloc : memref<!tpu.dma_semaphore, #tpu.memory_space<semaphore_mem>>
          %dma_start3A_122 = arith.constant 0 : i32
          %dma_start3A_123 = tpu.memref_slice %arg3[%dma_start3A_122, %add3A_114] : memref<2x320000xi32, #tpu.memory_space<hbm>> -> memref<2x128xi32, #tpu.memory_space<hbm>>
          %dma_start3A_124 = arith.constant 0 : i32
          %dma_start3A_125 = tpu.memref_slice %arg3[%dma_start3A_124, %add3A_114] : memref<2x320000xi32, #tpu.memory_space<hbm>> -> memref<2x128xi32, #tpu.memory_space<hbm>>
          tpu.enqueue_dma source(%dma_start3A_125 : memref<2x128xi32, #tpu.memory_space<hbm>>) target(%arg6 : memref<2x128xi32, #tpu.memory_space<vmem>>) target_semaphore(%run_scoped3A : memref<!tpu.dma_semaphore, #tpu.memory_space<semaphore_mem>>)
          %dma_wait3A_126 = arith.constant 0 : i32
          %dma_wait3A_127 = tpu.memref_slice %arg3[%dma_wait3A_126, %add3A_114] : memref<2x320000xi32, #tpu.memory_space<hbm>> -> memref<2x128xi32, #tpu.memory_space<hbm>>
          %dma_wait3A_128 = arith.constant 0 : i32
          %dma_wait3A_129 = tpu.memref_slice %arg3[%dma_wait3A_128, %add3A_114] : memref<2x320000xi32, #tpu.memory_space<hbm>> -> memref<2x128xi32, #tpu.memory_space<hbm>>
          tpu.wait_dma2 semaphore(%run_scoped3A : memref<!tpu.dma_semaphore, #tpu.memory_space<semaphore_mem>>) src(%dma_wait3A_129 : memref<2x128xi32, #tpu.memory_space<hbm>>) dst(%arg6 : memref<2x128xi32, #tpu.memory_space<vmem>>)
          tpu.yield
        }) : () -> ()
        %dma_start3A_115 = arith.constant 0 : i32
        %dma_start3A_116 = arith.constant 0 : i32
        %dma_start3A_117 = tpu.memref_slice %arg6[%dma_start3A_115, %dma_start3A_116] : memref<2x128xi32, #tpu.memory_space<vmem>> -> memref<1x128xi32, #tpu.memory_space<vmem>>
        %dma_start3A_118 = tpu.memref_squeeze %dma_start3A_117 : memref<1x128xi32, #tpu.memory_space<vmem>> -> memref<128xi32, #tpu.memory_space<vmem>>
        %dma_start3A_119 = arith.constant 0 : i32
        %dma_start3A_120 = arith.constant 0 : i32
        %dma_start3A_121 = tpu.memref_slice %arg2[%dma_start3A_119, %dma_start3A_120] : memref<10000x128xf32, #tpu.memory_space<hbm>> -> memref<10000x128xf32, #tpu.memory_space<hbm>>
        tpu.enqueue_indirect_dma source(%dma_start3A_121 : memref<10000x128xf32, #tpu.memory_space<hbm>>) target(%arg8 : memref<128x128xf32, #tpu.memory_space<vmem>>) offsets(%dma_start3A_118 : memref<128xi32, #tpu.memory_space<vmem>>) semaphore(%arg11 : memref<!tpu.dma_semaphore, #tpu.memory_space<semaphore_mem>>)
      } else {
      }
      %dma_wait3A_92 = arith.constant 0 : i32
      %dma_wait3A_93 = arith.constant 0 : i32
      %dma_wait3A_94 = tpu.memref_slice %arg7[%dma_wait3A_92, %dma_wait3A_93] : memref<2x128xi32, #tpu.memory_space<vmem>> -> memref<1x128xi32, #tpu.memory_space<vmem>>
      %dma_wait3A_95 = tpu.memref_squeeze %dma_wait3A_94 : memref<1x128xi32, #tpu.memory_space<vmem>> -> memref<128xi32, #tpu.memory_space<vmem>>
      %dma_wait3A_96 = arith.constant 0 : i32
      %dma_wait3A_97 = arith.constant 0 : i32
      %dma_wait3A_98 = tpu.memref_slice %arg2[%dma_wait3A_96, %dma_wait3A_97] : memref<10000x128xf32, #tpu.memory_space<hbm>> -> memref<10000x128xf32, #tpu.memory_space<hbm>>
      tpu.wait_indirect_dma semaphore(%arg12 : memref<!tpu.dma_semaphore, #tpu.memory_space<semaphore_mem>>) src(%dma_wait3A_98 : memref<10000x128xf32, #tpu.memory_space<hbm>>) dst(%arg9 : memref<128x128xf32, #tpu.memory_space<vmem>>)
      %dma_start3A_99 = arith.constant 1 : i32
      %dma_start3A_100 = arith.constant 0 : i32
      %dma_start3A_101 = tpu.memref_slice %arg7[%dma_start3A_99, %dma_start3A_100] : memref<2x128xi32, #tpu.memory_space<vmem>> -> memref<1x128xi32, #tpu.memory_space<vmem>>
      %dma_start3A_102 = tpu.memref_squeeze %dma_start3A_101 : memref<1x128xi32, #tpu.memory_space<vmem>> -> memref<128xi32, #tpu.memory_space<vmem>>
      %dma_start3A_103 = arith.constant 0 : i32
      %dma_start3A_104 = arith.constant 0 : i32
      %dma_start3A_105 = tpu.memref_slice %arg10[%dma_start3A_103, %dma_start3A_104] : memref<10000x128xf32, #tpu.memory_space<vmem_shared>> -> memref<10000x128xf32, #tpu.memory_space<vmem_shared>>
      tpu.enqueue_indirect_dma source(%arg9 : memref<128x128xf32, #tpu.memory_space<vmem>>) target(%dma_start3A_105 : memref<10000x128xf32, #tpu.memory_space<vmem_shared>>) offsets(%dma_start3A_102 : memref<128xi32, #tpu.memory_space<vmem>>) semaphore(%arg14 : memref<!tpu.dma_semaphore, #tpu.memory_space<semaphore_mem>>) {add = true}
    }
    %scan3A_18 = arith.constant 39 : i32
    %dma_wait3A = arith.constant 1 : i32
    %dma_wait3A_19 = arith.constant 0 : i32
    %dma_wait3A_20 = tpu.memref_slice %arg6[%dma_wait3A, %dma_wait3A_19] : memref<2x128xi32, #tpu.memory_space<vmem>> -> memref<1x128xi32, #tpu.memory_space<vmem>>
    %dma_wait3A_21 = tpu.memref_squeeze %dma_wait3A_20 : memref<1x128xi32, #tpu.memory_space<vmem>> -> memref<128xi32, #tpu.memory_space<vmem>>
    %dma_wait3A_22 = arith.constant 0 : i32
    %dma_wait3A_23 = arith.constant 0 : i32
    %dma_wait3A_24 = tpu.memref_slice %arg10[%dma_wait3A_22, %dma_wait3A_23] : memref<10000x128xf32, #tpu.memory_space<vmem_shared>> -> memref<10000x128xf32, #tpu.memory_space<vmem_shared>>
    tpu.wait_indirect_dma semaphore(%arg13 : memref<!tpu.dma_semaphore, #tpu.memory_space<semaphore_mem>>) src(%arg8 : memref<128x128xf32, #tpu.memory_space<vmem>>) dst(%dma_wait3A_24 : memref<10000x128xf32, #tpu.memory_space<vmem_shared>>)
    %dma_wait3A_25 = arith.constant 1 : i32
    %dma_wait3A_26 = arith.constant 0 : i32
    %dma_wait3A_27 = tpu.memref_slice %arg7[%dma_wait3A_25, %dma_wait3A_26] : memref<2x128xi32, #tpu.memory_space<vmem>> -> memref<1x128xi32, #tpu.memory_space<vmem>>
    %dma_wait3A_28 = tpu.memref_squeeze %dma_wait3A_27 : memref<1x128xi32, #tpu.memory_space<vmem>> -> memref<128xi32, #tpu.memory_space<vmem>>
    %dma_wait3A_29 = arith.constant 0 : i32
    %dma_wait3A_30 = arith.constant 0 : i32
    %dma_wait3A_31 = tpu.memref_slice %arg10[%dma_wait3A_29, %dma_wait3A_30] : memref<10000x128xf32, #tpu.memory_space<vmem_shared>> -> memref<10000x128xf32, #tpu.memory_space<vmem_shared>>
    tpu.wait_indirect_dma semaphore(%arg14 : memref<!tpu.dma_semaphore, #tpu.memory_space<semaphore_mem>>) src(%arg9 : memref<128x128xf32, #tpu.memory_space<vmem>>) dst(%dma_wait3A_31 : memref<10000x128xf32, #tpu.memory_space<vmem_shared>>)
    %lt3A_32 = arith.constant 4 : i32
    %lt3A_33 = arith.cmpi slt, %add3A, %lt3A_32 : i32
    %convert_element_type3A_34 = arith.extui %lt3A_33 : i1 to i32
    %cond3A_35 = arith.constant 0 : i32
    %cond3A_36 = arith.cmpi ne, %convert_element_type3A_34, %cond3A_35 : i32
    scf.if %cond3A_36 {
      %add3A_48 = arith.constant 2496 : i32
      %add3A_49 = arith.addi %add3A_48, %add3A : i32
      %mul3A_50 = arith.constant 128 : i32
      %mul3A_51 = arith.muli %add3A_49, %mul3A_50 : i32
      "tpu.region"() ({
        %run_scoped3A_66 = tpu.sem_alloc : memref<!tpu.dma_semaphore, #tpu.memory_space<semaphore_mem>>
        %dma_start3A_67 = arith.constant 0 : i32
        %dma_start3A_68 = tpu.memref_slice %arg3[%dma_start3A_67, %mul3A_51] : memref<2x320000xi32, #tpu.memory_space<hbm>> -> memref<2x128xi32, #tpu.memory_space<hbm>>
        %dma_start3A_69 = arith.constant 0 : i32
        %dma_start3A_70 = tpu.memref_slice %arg3[%dma_start3A_69, %mul3A_51] : memref<2x320000xi32, #tpu.memory_space<hbm>> -> memref<2x128xi32, #tpu.memory_space<hbm>>
        tpu.enqueue_dma source(%dma_start3A_70 : memref<2x128xi32, #tpu.memory_space<hbm>>) target(%arg6 : memref<2x128xi32, #tpu.memory_space<vmem>>) target_semaphore(%run_scoped3A_66 : memref<!tpu.dma_semaphore, #tpu.memory_space<semaphore_mem>>)
        %dma_wait3A_71 = arith.constant 0 : i32
        %dma_wait3A_72 = tpu.memref_slice %arg3[%dma_wait3A_71, %mul3A_51] : memref<2x320000xi32, #tpu.memory_space<hbm>> -> memref<2x128xi32, #tpu.memory_space<hbm>>
        %dma_wait3A_73 = arith.constant 0 : i32
        %dma_wait3A_74 = tpu.memref_slice %arg3[%dma_wait3A_73, %mul3A_51] : memref<2x320000xi32, #tpu.memory_space<hbm>> -> memref<2x128xi32, #tpu.memory_space<hbm>>
        tpu.wait_dma2 semaphore(%run_scoped3A_66 : memref<!tpu.dma_semaphore, #tpu.memory_space<semaphore_mem>>) src(%dma_wait3A_74 : memref<2x128xi32, #tpu.memory_space<hbm>>) dst(%arg6 : memref<2x128xi32, #tpu.memory_space<vmem>>)
        tpu.yield
      }) : () -> ()
      %dma_start3A_52 = arith.constant 0 : i32
      %dma_start3A_53 = arith.constant 0 : i32
      %dma_start3A_54 = tpu.memref_slice %arg6[%dma_start3A_52, %dma_start3A_53] : memref<2x128xi32, #tpu.memory_space<vmem>> -> memref<1x128xi32, #tpu.memory_space<vmem>>
      %dma_start3A_55 = tpu.memref_squeeze %dma_start3A_54 : memref<1x128xi32, #tpu.memory_space<vmem>> -> memref<128xi32, #tpu.memory_space<vmem>>
      %dma_start3A_56 = arith.constant 0 : i32
      %dma_start3A_57 = arith.constant 0 : i32
      %dma_start3A_58 = tpu.memref_slice %arg2[%dma_start3A_56, %dma_start3A_57] : memref<10000x128xf32, #tpu.memory_space<hbm>> -> memref<10000x128xf32, #tpu.memory_space<hbm>>
      tpu.enqueue_indirect_dma source(%dma_start3A_58 : memref<10000x128xf32, #tpu.memory_space<hbm>>) target(%arg8 : memref<128x128xf32, #tpu.memory_space<vmem>>) offsets(%dma_start3A_55 : memref<128xi32, #tpu.memory_space<vmem>>) semaphore(%arg11 : memref<!tpu.dma_semaphore, #tpu.memory_space<semaphore_mem>>)
      %dma_wait3A_59 = arith.constant 0 : i32
      %dma_wait3A_60 = arith.constant 0 : i32
      %dma_wait3A_61 = tpu.memref_slice %arg6[%dma_wait3A_59, %dma_wait3A_60] : memref<2x128xi32, #tpu.memory_space<vmem>> -> memref<1x128xi32, #tpu.memory_space<vmem>>
      %dma_wait3A_62 = tpu.memref_squeeze %dma_wait3A_61 : memref<1x128xi32, #tpu.memory_space<vmem>> -> memref<128xi32, #tpu.memory_space<vmem>>
      %dma_wait3A_63 = arith.constant 0 : i32
      %dma_wait3A_64 = arith.constant 0 : i32
      %dma_wait3A_65 = tpu.memref_slice %arg2[%dma_wait3A_63, %dma_wait3A_64] : memref<10000x128xf32, #tpu.memory_space<hbm>> -> memref<10000x128xf32, #tpu.memory_space<hbm>>
      tpu.wait_indirect_dma semaphore(%arg11 : memref<!tpu.dma_semaphore, #tpu.memory_space<semaphore_mem>>) src(%dma_wait3A_65 : memref<10000x128xf32, #tpu.memory_space<hbm>>) dst(%arg8 : memref<128x128xf32, #tpu.memory_space<vmem>>)
      %run_scoped3A = arith.constant 1 : i32
      "tpu.region"() ({
        %run_scoped3A_66 = tpu.sem_alloc : memref<!tpu.dma_semaphore, #tpu.memory_space<semaphore_mem>>
        %dma_start3A_67 = arith.constant 0 : i32
        %dma_start3A_68 = tpu.memref_slice %arg6[%run_scoped3A, %dma_start3A_67] : memref<2x128xi32, #tpu.memory_space<vmem>> -> memref<1x128xi32, #tpu.memory_space<vmem>>
        %dma_start3A_69 = tpu.memref_squeeze %dma_start3A_68 : memref<1x128xi32, #tpu.memory_space<vmem>> -> memref<128xi32, #tpu.memory_space<vmem>>
        %dma_start3A_70 = arith.constant 0 : i32
        %dma_start3A_71 = arith.constant 0 : i32
        %dma_start3A_72 = tpu.memref_slice %arg10[%dma_start3A_70, %dma_start3A_71] : memref<10000x128xf32, #tpu.memory_space<vmem_shared>> -> memref<10000x128xf32, #tpu.memory_space<vmem_shared>>
        tpu.enqueue_indirect_dma source(%arg8 : memref<128x128xf32, #tpu.memory_space<vmem>>) target(%dma_start3A_72 : memref<10000x128xf32, #tpu.memory_space<vmem_shared>>) offsets(%dma_start3A_69 : memref<128xi32, #tpu.memory_space<vmem>>) semaphore(%run_scoped3A_66 : memref<!tpu.dma_semaphore, #tpu.memory_space<semaphore_mem>>) {add = true}
        %dma_wait3A_73 = arith.constant 0 : i32
        %dma_wait3A_74 = tpu.memref_slice %arg6[%run_scoped3A, %dma_wait3A_73] : memref<2x128xi32, #tpu.memory_space<vmem>> -> memref<1x128xi32, #tpu.memory_space<vmem>>
        %dma_wait3A_75 = tpu.memref_squeeze %dma_wait3A_74 : memref<1x128xi32, #tpu.memory_space<vmem>> -> memref<128xi32, #tpu.memory_space<vmem>>
        %dma_wait3A_76 = arith.constant 0 : i32
        %dma_wait3A_77 = arith.constant 0 : i32
        %dma_wait3A_78 = tpu.memref_slice %arg10[%dma_wait3A_76, %dma_wait3A_77] : memref<10000x128xf32, #tpu.memory_space<vmem_shared>> -> memref<10000x128xf32, #tpu.memory_space<vmem_shared>>
        tpu.wait_indirect_dma semaphore(%run_scoped3A_66 : memref<!tpu.dma_semaphore, #tpu.memory_space<semaphore_mem>>) src(%arg8 : memref<128x128xf32, #tpu.memory_space<vmem>>) dst(%dma_wait3A_78 : memref<10000x128xf32, #tpu.memory_space<vmem_shared>>)
        tpu.yield
      }) : () -> ()
    } else {
    }
    %barrier3A_37 = arith.constant 0 : index
    tpu.barrier barrier_id(%barrier3A_37)
    %lt3A_38 = arith.constant 15 : i32
    %lt3A_39 = arith.cmpi slt, %arg1, %lt3A_38 : i32
    %convert_element_type3A_40 = arith.extui %lt3A_39 : i1 to i32
    %cond3A_41 = arith.constant 0 : i32
    %cond3A_42 = arith.cmpi ne, %convert_element_type3A_40, %cond3A_41 : i32
    scf.if %cond3A_42 {
      %mul3A_48 = arith.constant 624 : i32
      %mul3A_49 = arith.muli %arg1, %mul3A_48 : i32
      %mul3A_50 = arith.constant 10000 : i32
      %mul3A_51 = arith.muli %arg0, %mul3A_50 : i32
      %mul3A_52 = arith.constant 624 : i32
      %mul3A_53 = arith.muli %arg1, %mul3A_52 : i32
      %add3A_54 = arith.addi %mul3A_51, %mul3A_53 : i32
      "tpu.region"() ({
        %run_scoped3A = tpu.sem_alloc : memref<!tpu.dma_semaphore, #tpu.memory_space<semaphore_mem>>
        %dma_start3A_55 = arith.constant 0 : i32
        %dma_start3A_56 = tpu.memref_slice %arg5[%add3A_54, %dma_start3A_55] : memref<20000x128xf32, #tpu.memory_space<hbm>> -> memref<624x128xf32, #tpu.memory_space<hbm>>
        %dma_start3A_57 = arith.constant 0 : i32
        %dma_start3A_58 = tpu.memref_slice %arg10[%mul3A_49, %dma_start3A_57] : memref<10000x128xf32, #tpu.memory_space<vmem_shared>> -> memref<624x128xf32, #tpu.memory_space<vmem_shared>>
        tpu.enqueue_dma source(%dma_start3A_58 : memref<624x128xf32, #tpu.memory_space<vmem_shared>>) target(%dma_start3A_56 : memref<624x128xf32, #tpu.memory_space<hbm>>) target_semaphore(%run_scoped3A : memref<!tpu.dma_semaphore, #tpu.memory_space<semaphore_mem>>)
        %dma_wait3A_59 = arith.constant 0 : i32
        %dma_wait3A_60 = tpu.memref_slice %arg5[%add3A_54, %dma_wait3A_59] : memref<20000x128xf32, #tpu.memory_space<hbm>> -> memref<624x128xf32, #tpu.memory_space<hbm>>
        %dma_wait3A_61 = arith.constant 0 : i32
        %dma_wait3A_62 = tpu.memref_slice %arg10[%mul3A_49, %dma_wait3A_61] : memref<10000x128xf32, #tpu.memory_space<vmem_shared>> -> memref<624x128xf32, #tpu.memory_space<vmem_shared>>
        tpu.wait_dma2 semaphore(%run_scoped3A : memref<!tpu.dma_semaphore, #tpu.memory_space<semaphore_mem>>) src(%dma_wait3A_62 : memref<624x128xf32, #tpu.memory_space<vmem_shared>>) dst(%dma_wait3A_60 : memref<624x128xf32, #tpu.memory_space<hbm>>)
        tpu.yield
      }) : () -> ()
    } else {
    }
    %eq3A_43 = arith.constant 15 : i32
    %eq3A_44 = arith.cmpi eq, %arg1, %eq3A_43 : i32
    %convert_element_type3A_45 = arith.extui %eq3A_44 : i1 to i32
    %cond3A_46 = arith.constant 0 : i32
    %cond3A_47 = arith.cmpi ne, %convert_element_type3A_45, %cond3A_46 : i32
    scf.if %cond3A_47 {
      %mul3A_48 = arith.constant 10000 : i32
      %mul3A_49 = arith.muli %arg0, %mul3A_48 : i32
      %add3A_50 = arith.constant 9360 : i32
      %add3A_51 = arith.addi %mul3A_49, %add3A_50 : i32
      "tpu.region"() ({
        %run_scoped3A = tpu.sem_alloc : memref<!tpu.dma_semaphore, #tpu.memory_space<semaphore_mem>>
        %dma_start3A_52 = arith.constant 0 : i32
        %dma_start3A_53 = tpu.memref_slice %arg5[%add3A_51, %dma_start3A_52] : memref<20000x128xf32, #tpu.memory_space<hbm>> -> memref<640x128xf32, #tpu.memory_space<hbm>>
        %dma_start3A_54 = arith.constant 9360 : i32
        %dma_start3A_55 = arith.constant 0 : i32
        %dma_start3A_56 = tpu.memref_slice %arg10[%dma_start3A_54, %dma_start3A_55] : memref<10000x128xf32, #tpu.memory_space<vmem_shared>> -> memref<640x128xf32, #tpu.memory_space<vmem_shared>>
        tpu.enqueue_dma source(%dma_start3A_56 : memref<640x128xf32, #tpu.memory_space<vmem_shared>>) target(%dma_start3A_53 : memref<640x128xf32, #tpu.memory_space<hbm>>) target_semaphore(%run_scoped3A : memref<!tpu.dma_semaphore, #tpu.memory_space<semaphore_mem>>)
        %dma_wait3A_57 = arith.constant 0 : i32
        %dma_wait3A_58 = tpu.memref_slice %arg5[%add3A_51, %dma_wait3A_57] : memref<20000x128xf32, #tpu.memory_space<hbm>> -> memref<640x128xf32, #tpu.memory_space<hbm>>
        %dma_wait3A_59 = arith.constant 9360 : i32
        %dma_wait3A_60 = arith.constant 0 : i32
        %dma_wait3A_61 = tpu.memref_slice %arg10[%dma_wait3A_59, %dma_wait3A_60] : memref<10000x128xf32, #tpu.memory_space<vmem_shared>> -> memref<640x128xf32, #tpu.memory_space<vmem_shared>>
        tpu.wait_dma2 semaphore(%run_scoped3A : memref<!tpu.dma_semaphore, #tpu.memory_space<semaphore_mem>>) src(%dma_wait3A_61 : memref<640x128xf32, #tpu.memory_space<vmem_shared>>) dst(%dma_wait3A_58 : memref<640x128xf32, #tpu.memory_space<hbm>>)
        tpu.yield
      }) : () -> ()
    } else {
    }
    return
  }
}

#map = affine_map<(d0, d1) -> (0, 0)>
module attributes {stable_mosaic.version = 14 : i64} {
  func.func @scatter_kernel(%arg0: i32, %arg1: i32, %arg2: memref<10000x128xf32, #tpu.memory_space<hbm>>, %arg3: memref<2x320000xi32, #tpu.memory_space<hbm>>, %arg4: memref<640x128xf32, #tpu.memory_space<hbm>>, %arg5: memref<20000x128xf32, #tpu.memory_space<hbm>>, %arg6: memref<2x128xi32, #tpu.memory_space<vmem>>, %arg7: memref<2x128xi32, #tpu.memory_space<vmem>>, %arg8: memref<128x128xf32, #tpu.memory_space<vmem>>, %arg9: memref<128x128xf32, #tpu.memory_space<vmem>>, %arg10: memref<10000x128xf32, #tpu.memory_space<vmem_shared>>, %arg11: memref<!tpu.dma_semaphore, #tpu.memory_space<semaphore_mem>>, %arg12: memref<!tpu.dma_semaphore, #tpu.memory_space<semaphore_mem>>, %arg13: memref<!tpu.dma_semaphore, #tpu.memory_space<semaphore_mem>>, %arg14: memref<!tpu.dma_semaphore, #tpu.memory_space<semaphore_mem>>) attributes {dimension_semantics = [#tpu.dimension_semantics<core_parallel>, #tpu.dimension_semantics<subcore_parallel>], iteration_bounds = array<i64: 2, 16>, scalar_prefetch = 0 : i64, scratch_operands = 9 : i64, tpu.core_type = #tpu.core_type<sc_vector_subcore>, window_params = [{transform_indices = #map}, {transform_indices = #map}, {transform_indices = #map}, {transform_indices = #map}]} {
    %mul3A = arith.constant 16 : i32
    %mul3A_0 = arith.muli %arg0, %mul3A : i32
    %add3A = arith.addi %mul3A_0, %arg1 : i32
    %lt3A = arith.constant 15 : i32
    %lt3A_1 = arith.cmpi slt, %arg1, %lt3A : i32
    %convert_element_type3A = arith.extui %lt3A_1 : i1 to i32
    %cond3A = arith.constant 0 : i32
    %cond3A_2 = arith.cmpi ne, %convert_element_type3A, %cond3A : i32
    scf.if %cond3A_2 {
      %mul3A_48 = arith.constant 624 : i32
      %mul3A_49 = arith.muli %arg1, %mul3A_48 : i32
      "tpu.region"() ({
        %run_scoped3A = tpu.sem_alloc : memref<!tpu.dma_semaphore, #tpu.memory_space<semaphore_mem>>
        %dma_start3A_50 = arith.constant 0 : i32
        %dma_start3A_51 = tpu.memref_slice %arg10[%mul3A_49, %dma_start3A_50] : memref<10000x128xf32, #tpu.memory_space<vmem_shared>> -> memref<624x128xf32, #tpu.memory_space<vmem_shared>>
        %dma_start3A_52 = arith.constant 0 : i32
        %dma_start3A_53 = arith.constant 0 : i32
        %dma_start3A_54 = tpu.memref_slice %arg4[%dma_start3A_52, %dma_start3A_53] : memref<640x128xf32, #tpu.memory_space<hbm>> -> memref<624x128xf32, #tpu.memory_space<hbm>>
        tpu.enqueue_dma source(%dma_start3A_54 : memref<624x128xf32, #tpu.memory_space<hbm>>) target(%dma_start3A_51 : memref<624x128xf32, #tpu.memory_space<vmem_shared>>) target_semaphore(%run_scoped3A : memref<!tpu.dma_semaphore, #tpu.memory_space<semaphore_mem>>)
        %dma_wait3A_55 = arith.constant 0 : i32
        %dma_wait3A_56 = tpu.memref_slice %arg10[%mul3A_49, %dma_wait3A_55] : memref<10000x128xf32, #tpu.memory_space<vmem_shared>> -> memref<624x128xf32, #tpu.memory_space<vmem_shared>>
        %dma_wait3A_57 = arith.constant 0 : i32
        %dma_wait3A_58 = arith.constant 0 : i32
        %dma_wait3A_59 = tpu.memref_slice %arg4[%dma_wait3A_57, %dma_wait3A_58] : memref<640x128xf32, #tpu.memory_space<hbm>> -> memref<624x128xf32, #tpu.memory_space<hbm>>
        tpu.wait_dma2 semaphore(%run_scoped3A : memref<!tpu.dma_semaphore, #tpu.memory_space<semaphore_mem>>) src(%dma_wait3A_59 : memref<624x128xf32, #tpu.memory_space<hbm>>) dst(%dma_wait3A_56 : memref<624x128xf32, #tpu.memory_space<vmem_shared>>)
        tpu.yield
      }) : () -> ()
    } else {
    }
    %eq3A = arith.constant 15 : i32
    %eq3A_3 = arith.cmpi eq, %arg1, %eq3A : i32
    %convert_element_type3A_4 = arith.extui %eq3A_3 : i1 to i32
    %cond3A_5 = arith.constant 0 : i32
    %cond3A_6 = arith.cmpi ne, %convert_element_type3A_4, %cond3A_5 : i32
    scf.if %cond3A_6 {
      "tpu.region"() ({
        %run_scoped3A = tpu.sem_alloc : memref<!tpu.dma_semaphore, #tpu.memory_space<semaphore_mem>>
        %dma_start3A_48 = arith.constant 9360 : i32
        %dma_start3A_49 = arith.constant 0 : i32
        %dma_start3A_50 = tpu.memref_slice %arg10[%dma_start3A_48, %dma_start3A_49] : memref<10000x128xf32, #tpu.memory_space<vmem_shared>> -> memref<640x128xf32, #tpu.memory_space<vmem_shared>>
        tpu.enqueue_dma source(%arg4 : memref<640x128xf32, #tpu.memory_space<hbm>>) target(%dma_start3A_50 : memref<640x128xf32, #tpu.memory_space<vmem_shared>>) target_semaphore(%run_scoped3A : memref<!tpu.dma_semaphore, #tpu.memory_space<semaphore_mem>>)
        %dma_wait3A_51 = arith.constant 9360 : i32
        %dma_wait3A_52 = arith.constant 0 : i32
        %dma_wait3A_53 = tpu.memref_slice %arg10[%dma_wait3A_51, %dma_wait3A_52] : memref<10000x128xf32, #tpu.memory_space<vmem_shared>> -> memref<640x128xf32, #tpu.memory_space<vmem_shared>>
        tpu.wait_dma2 semaphore(%run_scoped3A : memref<!tpu.dma_semaphore, #tpu.memory_space<semaphore_mem>>) src(%arg4 : memref<640x128xf32, #tpu.memory_space<hbm>>) dst(%dma_wait3A_53 : memref<640x128xf32, #tpu.memory_space<vmem_shared>>)
        tpu.yield
      }) : () -> ()
    } else {
    }
    %barrier3A = arith.constant 0 : index
    tpu.barrier barrier_id(%barrier3A)
    %mul3A_7 = arith.constant 128 : i32
    %mul3A_8 = arith.muli %add3A, %mul3A_7 : i32
    "tpu.region"() ({
      %run_scoped3A = tpu.sem_alloc : memref<!tpu.dma_semaphore, #tpu.memory_space<semaphore_mem>>
      %dma_start3A_48 = arith.constant 0 : i32
      %dma_start3A_49 = tpu.memref_slice %arg3[%dma_start3A_48, %mul3A_8] : memref<2x320000xi32, #tpu.memory_space<hbm>> -> memref<2x128xi32, #tpu.memory_space<hbm>>
      %dma_start3A_50 = arith.constant 0 : i32
      %dma_start3A_51 = tpu.memref_slice %arg3[%dma_start3A_50, %mul3A_8] : memref<2x320000xi32, #tpu.memory_space<hbm>> -> memref<2x128xi32, #tpu.memory_space<hbm>>
      tpu.enqueue_dma source(%dma_start3A_51 : memref<2x128xi32, #tpu.memory_space<hbm>>) target(%arg6 : memref<2x128xi32, #tpu.memory_space<vmem>>) target_semaphore(%run_scoped3A : memref<!tpu.dma_semaphore, #tpu.memory_space<semaphore_mem>>)
      %dma_wait3A_52 = arith.constant 0 : i32
      %dma_wait3A_53 = tpu.memref_slice %arg3[%dma_wait3A_52, %mul3A_8] : memref<2x320000xi32, #tpu.memory_space<hbm>> -> memref<2x128xi32, #tpu.memory_space<hbm>>
      %dma_wait3A_54 = arith.constant 0 : i32
      %dma_wait3A_55 = tpu.memref_slice %arg3[%dma_wait3A_54, %mul3A_8] : memref<2x320000xi32, #tpu.memory_space<hbm>> -> memref<2x128xi32, #tpu.memory_space<hbm>>
      tpu.wait_dma2 semaphore(%run_scoped3A : memref<!tpu.dma_semaphore, #tpu.memory_space<semaphore_mem>>) src(%dma_wait3A_55 : memref<2x128xi32, #tpu.memory_space<hbm>>) dst(%arg6 : memref<2x128xi32, #tpu.memory_space<vmem>>)
      tpu.yield
    }) : () -> ()
    %dma_start3A = arith.constant 0 : i32
    %dma_start3A_9 = arith.constant 0 : i32
    %dma_start3A_10 = tpu.memref_slice %arg6[%dma_start3A, %dma_start3A_9] : memref<2x128xi32, #tpu.memory_space<vmem>> -> memref<1x128xi32, #tpu.memory_space<vmem>>
    %dma_start3A_11 = tpu.memref_squeeze %dma_start3A_10 : memref<1x128xi32, #tpu.memory_space<vmem>> -> memref<128xi32, #tpu.memory_space<vmem>>
    %dma_start3A_12 = arith.constant 0 : i32
    %dma_start3A_13 = arith.constant 0 : i32
    %dma_start3A_14 = tpu.memref_slice %arg2[%dma_start3A_12, %dma_start3A_13] : memref<10000x128xf32, #tpu.memory_space<hbm>> -> memref<10000x128xf32, #tpu.memory_space<hbm>>
    tpu.enqueue_indirect_dma source(%dma_start3A_14 : memref<10000x128xf32, #tpu.memory_space<hbm>>) target(%arg8 : memref<128x128xf32, #tpu.memory_space<vmem>>) offsets(%dma_start3A_11 : memref<128xi32, #tpu.memory_space<vmem>>) semaphore(%arg11 : memref<!tpu.dma_semaphore, #tpu.memory_space<semaphore_mem>>)
    %scan3A = arith.constant 0 : i32
    %scan3A_15 = arith.constant 39 : i32
    %scan3A_16 = arith.addi %scan3A, %scan3A_15 : i32
    %scan3A_17 = arith.constant 1 : i32
    scf.for %scan3A_48 = %scan3A to %scan3A_16 step %scan3A_17  : i32 {
      %mul3A_49 = arith.constant 1 : i32
      %mul3A_50 = arith.muli %scan3A_48, %mul3A_49 : i32
      %add3A_51 = arith.constant 0 : i32
      %add3A_52 = arith.addi %add3A_51, %mul3A_50 : i32
      %mul3A_53 = arith.constant 2 : i32
      %mul3A_54 = arith.muli %mul3A_53, %add3A_52 : i32
      %mul3A_55 = arith.constant 32 : i32
      %mul3A_56 = arith.muli %mul3A_54, %mul3A_55 : i32
      %add3A_57 = arith.addi %mul3A_56, %add3A : i32
      %mul3A_58 = arith.constant 128 : i32
      %mul3A_59 = arith.muli %add3A_57, %mul3A_58 : i32
      %gt3A = arith.constant 0 : i32
      %gt3A_60 = arith.cmpi sgt, %add3A_52, %gt3A : i32
      %convert_element_type3A_61 = arith.extui %gt3A_60 : i1 to i32
      %cond3A_62 = arith.constant 0 : i32
      %cond3A_63 = arith.cmpi ne, %convert_element_type3A_61, %cond3A_62 : i32
      scf.if %cond3A_63 {
        %dma_wait3A_106 = arith.constant 1 : i32
        %dma_wait3A_107 = arith.constant 0 : i32
        %dma_wait3A_108 = tpu.memref_slice %arg7[%dma_wait3A_106, %dma_wait3A_107] : memref<2x128xi32, #tpu.memory_space<vmem>> -> memref<1x128xi32, #tpu.memory_space<vmem>>
        %dma_wait3A_109 = tpu.memref_squeeze %dma_wait3A_108 : memref<1x128xi32, #tpu.memory_space<vmem>> -> memref<128xi32, #tpu.memory_space<vmem>>
        %dma_wait3A_110 = arith.constant 0 : i32
        %dma_wait3A_111 = arith.constant 0 : i32
        %dma_wait3A_112 = tpu.memref_slice %arg10[%dma_wait3A_110, %dma_wait3A_111] : memref<10000x128xf32, #tpu.memory_space<vmem_shared>> -> memref<10000x128xf32, #tpu.memory_space<vmem_shared>>
        tpu.wait_indirect_dma semaphore(%arg14 : memref<!tpu.dma_semaphore, #tpu.memory_space<semaphore_mem>>) src(%arg9 : memref<128x128xf32, #tpu.memory_space<vmem>>) dst(%dma_wait3A_112 : memref<10000x128xf32, #tpu.memory_space<vmem_shared>>)
      } else {
      }
      %add3A_64 = arith.constant 4096 : i32
      %add3A_65 = arith.addi %mul3A_59, %add3A_64 : i32
      "tpu.region"() ({
        %run_scoped3A = tpu.sem_alloc : memref<!tpu.dma_semaphore, #tpu.memory_space<semaphore_mem>>
        %dma_start3A_106 = arith.constant 0 : i32
        %dma_start3A_107 = tpu.memref_slice %arg3[%dma_start3A_106, %add3A_65] : memref<2x320000xi32, #tpu.memory_space<hbm>> -> memref<2x128xi32, #tpu.memory_space<hbm>>
        %dma_start3A_108 = arith.constant 0 : i32
        %dma_start3A_109 = tpu.memref_slice %arg3[%dma_start3A_108, %add3A_65] : memref<2x320000xi32, #tpu.memory_space<hbm>> -> memref<2x128xi32, #tpu.memory_space<hbm>>
        tpu.enqueue_dma source(%dma_start3A_109 : memref<2x128xi32, #tpu.memory_space<hbm>>) target(%arg7 : memref<2x128xi32, #tpu.memory_space<vmem>>) target_semaphore(%run_scoped3A : memref<!tpu.dma_semaphore, #tpu.memory_space<semaphore_mem>>)
        %dma_wait3A_110 = arith.constant 0 : i32
        %dma_wait3A_111 = tpu.memref_slice %arg3[%dma_wait3A_110, %add3A_65] : memref<2x320000xi32, #tpu.memory_space<hbm>> -> memref<2x128xi32, #tpu.memory_space<hbm>>
        %dma_wait3A_112 = arith.constant 0 : i32
        %dma_wait3A_113 = tpu.memref_slice %arg3[%dma_wait3A_112, %add3A_65] : memref<2x320000xi32, #tpu.memory_space<hbm>> -> memref<2x128xi32, #tpu.memory_space<hbm>>
        tpu.wait_dma2 semaphore(%run_scoped3A : memref<!tpu.dma_semaphore, #tpu.memory_space<semaphore_mem>>) src(%dma_wait3A_113 : memref<2x128xi32, #tpu.memory_space<hbm>>) dst(%arg7 : memref<2x128xi32, #tpu.memory_space<vmem>>)
        tpu.yield
      }) : () -> ()
      %dma_start3A_66 = arith.constant 0 : i32
      %dma_start3A_67 = arith.constant 0 : i32
      %dma_start3A_68 = tpu.memref_slice %arg7[%dma_start3A_66, %dma_start3A_67] : memref<2x128xi32, #tpu.memory_space<vmem>> -> memref<1x128xi32, #tpu.memory_space<vmem>>
      %dma_start3A_69 = tpu.memref_squeeze %dma_start3A_68 : memref<1x128xi32, #tpu.memory_space<vmem>> -> memref<128xi32, #tpu.memory_space<vmem>>
      %dma_start3A_70 = arith.constant 0 : i32
      %dma_start3A_71 = arith.constant 0 : i32
      %dma_start3A_72 = tpu.memref_slice %arg2[%dma_start3A_70, %dma_start3A_71] : memref<10000x128xf32, #tpu.memory_space<hbm>> -> memref<10000x128xf32, #tpu.memory_space<hbm>>
      tpu.enqueue_indirect_dma source(%dma_start3A_72 : memref<10000x128xf32, #tpu.memory_space<hbm>>) target(%arg9 : memref<128x128xf32, #tpu.memory_space<vmem>>) offsets(%dma_start3A_69 : memref<128xi32, #tpu.memory_space<vmem>>) semaphore(%arg12 : memref<!tpu.dma_semaphore, #tpu.memory_space<semaphore_mem>>)
      %dma_wait3A_73 = arith.constant 0 : i32
      %dma_wait3A_74 = arith.constant 0 : i32
      %dma_wait3A_75 = tpu.memref_slice %arg6[%dma_wait3A_73, %dma_wait3A_74] : memref<2x128xi32, #tpu.memory_space<vmem>> -> memref<1x128xi32, #tpu.memory_space<vmem>>
      %dma_wait3A_76 = tpu.memref_squeeze %dma_wait3A_75 : memref<1x128xi32, #tpu.memory_space<vmem>> -> memref<128xi32, #tpu.memory_space<vmem>>
      %dma_wait3A_77 = arith.constant 0 : i32
      %dma_wait3A_78 = arith.constant 0 : i32
      %dma_wait3A_79 = tpu.memref_slice %arg2[%dma_wait3A_77, %dma_wait3A_78] : memref<10000x128xf32, #tpu.memory_space<hbm>> -> memref<10000x128xf32, #tpu.memory_space<hbm>>
      tpu.wait_indirect_dma semaphore(%arg11 : memref<!tpu.dma_semaphore, #tpu.memory_space<semaphore_mem>>) src(%dma_wait3A_79 : memref<10000x128xf32, #tpu.memory_space<hbm>>) dst(%arg8 : memref<128x128xf32, #tpu.memory_space<vmem>>)
      %dma_start3A_80 = arith.constant 1 : i32
      %dma_start3A_81 = arith.constant 0 : i32
      %dma_start3A_82 = tpu.memref_slice %arg6[%dma_start3A_80, %dma_start3A_81] : memref<2x128xi32, #tpu.memory_space<vmem>> -> memref<1x128xi32, #tpu.memory_space<vmem>>
      %dma_start3A_83 = tpu.memref_squeeze %dma_start3A_82 : memref<1x128xi32, #tpu.memory_space<vmem>> -> memref<128xi32, #tpu.memory_space<vmem>>
      %dma_start3A_84 = arith.constant 0 : i32
      %dma_start3A_85 = arith.constant 0 : i32
      %dma_start3A_86 = tpu.memref_slice %arg10[%dma_start3A_84, %dma_start3A_85] : memref<10000x128xf32, #tpu.memory_space<vmem_shared>> -> memref<10000x128xf32, #tpu.memory_space<vmem_shared>>
      tpu.enqueue_indirect_dma source(%arg8 : memref<128x128xf32, #tpu.memory_space<vmem>>) target(%dma_start3A_86 : memref<10000x128xf32, #tpu.memory_space<vmem_shared>>) offsets(%dma_start3A_83 : memref<128xi32, #tpu.memory_space<vmem>>) semaphore(%arg13 : memref<!tpu.dma_semaphore, #tpu.memory_space<semaphore_mem>>) {add = true}
      %lt3A_87 = arith.constant 38 : i32
      %lt3A_88 = arith.cmpi slt, %add3A_52, %lt3A_87 : i32
      %convert_element_type3A_89 = arith.extui %lt3A_88 : i1 to i32
      %cond3A_90 = arith.constant 0 : i32
      %cond3A_91 = arith.cmpi ne, %convert_element_type3A_89, %cond3A_90 : i32
      scf.if %cond3A_91 {
        %dma_wait3A_106 = arith.constant 1 : i32
        %dma_wait3A_107 = arith.constant 0 : i32
        %dma_wait3A_108 = tpu.memref_slice %arg6[%dma_wait3A_106, %dma_wait3A_107] : memref<2x128xi32, #tpu.memory_space<vmem>> -> memref<1x128xi32, #tpu.memory_space<vmem>>
        %dma_wait3A_109 = tpu.memref_squeeze %dma_wait3A_108 : memref<1x128xi32, #tpu.memory_space<vmem>> -> memref<128xi32, #tpu.memory_space<vmem>>
        %dma_wait3A_110 = arith.constant 0 : i32
        %dma_wait3A_111 = arith.constant 0 : i32
        %dma_wait3A_112 = tpu.memref_slice %arg10[%dma_wait3A_110, %dma_wait3A_111] : memref<10000x128xf32, #tpu.memory_space<vmem_shared>> -> memref<10000x128xf32, #tpu.memory_space<vmem_shared>>
        tpu.wait_indirect_dma semaphore(%arg13 : memref<!tpu.dma_semaphore, #tpu.memory_space<semaphore_mem>>) src(%arg8 : memref<128x128xf32, #tpu.memory_space<vmem>>) dst(%dma_wait3A_112 : memref<10000x128xf32, #tpu.memory_space<vmem_shared>>)
        %add3A_113 = arith.constant 8192 : i32
        %add3A_114 = arith.addi %mul3A_59, %add3A_113 : i32
        "tpu.region"() ({
          %run_scoped3A = tpu.sem_alloc : memref<!tpu.dma_semaphore, #tpu.memory_space<semaphore_mem>>
          %dma_start3A_122 = arith.constant 0 : i32
          %dma_start3A_123 = tpu.memref_slice %arg3[%dma_start3A_122, %add3A_114] : memref<2x320000xi32, #tpu.memory_space<hbm>> -> memref<2x128xi32, #tpu.memory_space<hbm>>
          %dma_start3A_124 = arith.constant 0 : i32
          %dma_start3A_125 = tpu.memref_slice %arg3[%dma_start3A_124, %add3A_114] : memref<2x320000xi32, #tpu.memory_space<hbm>> -> memref<2x128xi32, #tpu.memory_space<hbm>>
          tpu.enqueue_dma source(%dma_start3A_125 : memref<2x128xi32, #tpu.memory_space<hbm>>) target(%arg6 : memref<2x128xi32, #tpu.memory_space<vmem>>) target_semaphore(%run_scoped3A : memref<!tpu.dma_semaphore, #tpu.memory_space<semaphore_mem>>)
          %dma_wait3A_126 = arith.constant 0 : i32
          %dma_wait3A_127 = tpu.memref_slice %arg3[%dma_wait3A_126, %add3A_114] : memref<2x320000xi32, #tpu.memory_space<hbm>> -> memref<2x128xi32, #tpu.memory_space<hbm>>
          %dma_wait3A_128 = arith.constant 0 : i32
          %dma_wait3A_129 = tpu.memref_slice %arg3[%dma_wait3A_128, %add3A_114] : memref<2x320000xi32, #tpu.memory_space<hbm>> -> memref<2x128xi32, #tpu.memory_space<hbm>>
          tpu.wait_dma2 semaphore(%run_scoped3A : memref<!tpu.dma_semaphore, #tpu.memory_space<semaphore_mem>>) src(%dma_wait3A_129 : memref<2x128xi32, #tpu.memory_space<hbm>>) dst(%arg6 : memref<2x128xi32, #tpu.memory_space<vmem>>)
          tpu.yield
        }) : () -> ()
        %dma_start3A_115 = arith.constant 0 : i32
        %dma_start3A_116 = arith.constant 0 : i32
        %dma_start3A_117 = tpu.memref_slice %arg6[%dma_start3A_115, %dma_start3A_116] : memref<2x128xi32, #tpu.memory_space<vmem>> -> memref<1x128xi32, #tpu.memory_space<vmem>>
        %dma_start3A_118 = tpu.memref_squeeze %dma_start3A_117 : memref<1x128xi32, #tpu.memory_space<vmem>> -> memref<128xi32, #tpu.memory_space<vmem>>
        %dma_start3A_119 = arith.constant 0 : i32
        %dma_start3A_120 = arith.constant 0 : i32
        %dma_start3A_121 = tpu.memref_slice %arg2[%dma_start3A_119, %dma_start3A_120] : memref<10000x128xf32, #tpu.memory_space<hbm>> -> memref<10000x128xf32, #tpu.memory_space<hbm>>
        tpu.enqueue_indirect_dma source(%dma_start3A_121 : memref<10000x128xf32, #tpu.memory_space<hbm>>) target(%arg8 : memref<128x128xf32, #tpu.memory_space<vmem>>) offsets(%dma_start3A_118 : memref<128xi32, #tpu.memory_space<vmem>>) semaphore(%arg11 : memref<!tpu.dma_semaphore, #tpu.memory_space<semaphore_mem>>)
      } else {
      }
      %dma_wait3A_92 = arith.constant 0 : i32
      %dma_wait3A_93 = arith.constant 0 : i32
      %dma_wait3A_94 = tpu.memref_slice %arg7[%dma_wait3A_92, %dma_wait3A_93] : memref<2x128xi32, #tpu.memory_space<vmem>> -> memref<1x128xi32, #tpu.memory_space<vmem>>
      %dma_wait3A_95 = tpu.memref_squeeze %dma_wait3A_94 : memref<1x128xi32, #tpu.memory_space<vmem>> -> memref<128xi32, #tpu.memory_space<vmem>>
      %dma_wait3A_96 = arith.constant 0 : i32
      %dma_wait3A_97 = arith.constant 0 : i32
      %dma_wait3A_98 = tpu.memref_slice %arg2[%dma_wait3A_96, %dma_wait3A_97] : memref<10000x128xf32, #tpu.memory_space<hbm>> -> memref<10000x128xf32, #tpu.memory_space<hbm>>
      tpu.wait_indirect_dma semaphore(%arg12 : memref<!tpu.dma_semaphore, #tpu.memory_space<semaphore_mem>>) src(%dma_wait3A_98 : memref<10000x128xf32, #tpu.memory_space<hbm>>) dst(%arg9 : memref<128x128xf32, #tpu.memory_space<vmem>>)
      %dma_start3A_99 = arith.constant 1 : i32
      %dma_start3A_100 = arith.constant 0 : i32
      %dma_start3A_101 = tpu.memref_slice %arg7[%dma_start3A_99, %dma_start3A_100] : memref<2x128xi32, #tpu.memory_space<vmem>> -> memref<1x128xi32, #tpu.memory_space<vmem>>
      %dma_start3A_102 = tpu.memref_squeeze %dma_start3A_101 : memref<1x128xi32, #tpu.memory_space<vmem>> -> memref<128xi32, #tpu.memory_space<vmem>>
      %dma_start3A_103 = arith.constant 0 : i32
      %dma_start3A_104 = arith.constant 0 : i32
      %dma_start3A_105 = tpu.memref_slice %arg10[%dma_start3A_103, %dma_start3A_104] : memref<10000x128xf32, #tpu.memory_space<vmem_shared>> -> memref<10000x128xf32, #tpu.memory_space<vmem_shared>>
      tpu.enqueue_indirect_dma source(%arg9 : memref<128x128xf32, #tpu.memory_space<vmem>>) target(%dma_start3A_105 : memref<10000x128xf32, #tpu.memory_space<vmem_shared>>) offsets(%dma_start3A_102 : memref<128xi32, #tpu.memory_space<vmem>>) semaphore(%arg14 : memref<!tpu.dma_semaphore, #tpu.memory_space<semaphore_mem>>) {add = true}
    }
    %scan3A_18 = arith.constant 39 : i32
    %dma_wait3A = arith.constant 1 : i32
    %dma_wait3A_19 = arith.constant 0 : i32
    %dma_wait3A_20 = tpu.memref_slice %arg6[%dma_wait3A, %dma_wait3A_19] : memref<2x128xi32, #tpu.memory_space<vmem>> -> memref<1x128xi32, #tpu.memory_space<vmem>>
    %dma_wait3A_21 = tpu.memref_squeeze %dma_wait3A_20 : memref<1x128xi32, #tpu.memory_space<vmem>> -> memref<128xi32, #tpu.memory_space<vmem>>
    %dma_wait3A_22 = arith.constant 0 : i32
    %dma_wait3A_23 = arith.constant 0 : i32
    %dma_wait3A_24 = tpu.memref_slice %arg10[%dma_wait3A_22, %dma_wait3A_23] : memref<10000x128xf32, #tpu.memory_space<vmem_shared>> -> memref<10000x128xf32, #tpu.memory_space<vmem_shared>>
    tpu.wait_indirect_dma semaphore(%arg13 : memref<!tpu.dma_semaphore, #tpu.memory_space<semaphore_mem>>) src(%arg8 : memref<128x128xf32, #tpu.memory_space<vmem>>) dst(%dma_wait3A_24 : memref<10000x128xf32, #tpu.memory_space<vmem_shared>>)
    %dma_wait3A_25 = arith.constant 1 : i32
    %dma_wait3A_26 = arith.constant 0 : i32
    %dma_wait3A_27 = tpu.memref_slice %arg7[%dma_wait3A_25, %dma_wait3A_26] : memref<2x128xi32, #tpu.memory_space<vmem>> -> memref<1x128xi32, #tpu.memory_space<vmem>>
    %dma_wait3A_28 = tpu.memref_squeeze %dma_wait3A_27 : memref<1x128xi32, #tpu.memory_space<vmem>> -> memref<128xi32, #tpu.memory_space<vmem>>
    %dma_wait3A_29 = arith.constant 0 : i32
    %dma_wait3A_30 = arith.constant 0 : i32
    %dma_wait3A_31 = tpu.memref_slice %arg10[%dma_wait3A_29, %dma_wait3A_30] : memref<10000x128xf32, #tpu.memory_space<vmem_shared>> -> memref<10000x128xf32, #tpu.memory_space<vmem_shared>>
    tpu.wait_indirect_dma semaphore(%arg14 : memref<!tpu.dma_semaphore, #tpu.memory_space<semaphore_mem>>) src(%arg9 : memref<128x128xf32, #tpu.memory_space<vmem>>) dst(%dma_wait3A_31 : memref<10000x128xf32, #tpu.memory_space<vmem_shared>>)
    %lt3A_32 = arith.constant 4 : i32
    %lt3A_33 = arith.cmpi slt, %add3A, %lt3A_32 : i32
    %convert_element_type3A_34 = arith.extui %lt3A_33 : i1 to i32
    %cond3A_35 = arith.constant 0 : i32
    %cond3A_36 = arith.cmpi ne, %convert_element_type3A_34, %cond3A_35 : i32
    scf.if %cond3A_36 {
      %add3A_48 = arith.constant 2496 : i32
      %add3A_49 = arith.addi %add3A_48, %add3A : i32
      %mul3A_50 = arith.constant 128 : i32
      %mul3A_51 = arith.muli %add3A_49, %mul3A_50 : i32
      "tpu.region"() ({
        %run_scoped3A_66 = tpu.sem_alloc : memref<!tpu.dma_semaphore, #tpu.memory_space<semaphore_mem>>
        %dma_start3A_67 = arith.constant 0 : i32
        %dma_start3A_68 = tpu.memref_slice %arg3[%dma_start3A_67, %mul3A_51] : memref<2x320000xi32, #tpu.memory_space<hbm>> -> memref<2x128xi32, #tpu.memory_space<hbm>>
        %dma_start3A_69 = arith.constant 0 : i32
        %dma_start3A_70 = tpu.memref_slice %arg3[%dma_start3A_69, %mul3A_51] : memref<2x320000xi32, #tpu.memory_space<hbm>> -> memref<2x128xi32, #tpu.memory_space<hbm>>
        tpu.enqueue_dma source(%dma_start3A_70 : memref<2x128xi32, #tpu.memory_space<hbm>>) target(%arg6 : memref<2x128xi32, #tpu.memory_space<vmem>>) target_semaphore(%run_scoped3A_66 : memref<!tpu.dma_semaphore, #tpu.memory_space<semaphore_mem>>)
        %dma_wait3A_71 = arith.constant 0 : i32
        %dma_wait3A_72 = tpu.memref_slice %arg3[%dma_wait3A_71, %mul3A_51] : memref<2x320000xi32, #tpu.memory_space<hbm>> -> memref<2x128xi32, #tpu.memory_space<hbm>>
        %dma_wait3A_73 = arith.constant 0 : i32
        %dma_wait3A_74 = tpu.memref_slice %arg3[%dma_wait3A_73, %mul3A_51] : memref<2x320000xi32, #tpu.memory_space<hbm>> -> memref<2x128xi32, #tpu.memory_space<hbm>>
        tpu.wait_dma2 semaphore(%run_scoped3A_66 : memref<!tpu.dma_semaphore, #tpu.memory_space<semaphore_mem>>) src(%dma_wait3A_74 : memref<2x128xi32, #tpu.memory_space<hbm>>) dst(%arg6 : memref<2x128xi32, #tpu.memory_space<vmem>>)
        tpu.yield
      }) : () -> ()
      %dma_start3A_52 = arith.constant 0 : i32
      %dma_start3A_53 = arith.constant 0 : i32
      %dma_start3A_54 = tpu.memref_slice %arg6[%dma_start3A_52, %dma_start3A_53] : memref<2x128xi32, #tpu.memory_space<vmem>> -> memref<1x128xi32, #tpu.memory_space<vmem>>
      %dma_start3A_55 = tpu.memref_squeeze %dma_start3A_54 : memref<1x128xi32, #tpu.memory_space<vmem>> -> memref<128xi32, #tpu.memory_space<vmem>>
      %dma_start3A_56 = arith.constant 0 : i32
      %dma_start3A_57 = arith.constant 0 : i32
      %dma_start3A_58 = tpu.memref_slice %arg2[%dma_start3A_56, %dma_start3A_57] : memref<10000x128xf32, #tpu.memory_space<hbm>> -> memref<10000x128xf32, #tpu.memory_space<hbm>>
      tpu.enqueue_indirect_dma source(%dma_start3A_58 : memref<10000x128xf32, #tpu.memory_space<hbm>>) target(%arg8 : memref<128x128xf32, #tpu.memory_space<vmem>>) offsets(%dma_start3A_55 : memref<128xi32, #tpu.memory_space<vmem>>) semaphore(%arg11 : memref<!tpu.dma_semaphore, #tpu.memory_space<semaphore_mem>>)
      %dma_wait3A_59 = arith.constant 0 : i32
      %dma_wait3A_60 = arith.constant 0 : i32
      %dma_wait3A_61 = tpu.memref_slice %arg6[%dma_wait3A_59, %dma_wait3A_60] : memref<2x128xi32, #tpu.memory_space<vmem>> -> memref<1x128xi32, #tpu.memory_space<vmem>>
      %dma_wait3A_62 = tpu.memref_squeeze %dma_wait3A_61 : memref<1x128xi32, #tpu.memory_space<vmem>> -> memref<128xi32, #tpu.memory_space<vmem>>
      %dma_wait3A_63 = arith.constant 0 : i32
      %dma_wait3A_64 = arith.constant 0 : i32
      %dma_wait3A_65 = tpu.memref_slice %arg2[%dma_wait3A_63, %dma_wait3A_64] : memref<10000x128xf32, #tpu.memory_space<hbm>> -> memref<10000x128xf32, #tpu.memory_space<hbm>>
      tpu.wait_indirect_dma semaphore(%arg11 : memref<!tpu.dma_semaphore, #tpu.memory_space<semaphore_mem>>) src(%dma_wait3A_65 : memref<10000x128xf32, #tpu.memory_space<hbm>>) dst(%arg8 : memref<128x128xf32, #tpu.memory_space<vmem>>)
      %run_scoped3A = arith.constant 1 : i32
      "tpu.region"() ({
        %run_scoped3A_66 = tpu.sem_alloc : memref<!tpu.dma_semaphore, #tpu.memory_space<semaphore_mem>>
        %dma_start3A_67 = arith.constant 0 : i32
        %dma_start3A_68 = tpu.memref_slice %arg6[%run_scoped3A, %dma_start3A_67] : memref<2x128xi32, #tpu.memory_space<vmem>> -> memref<1x128xi32, #tpu.memory_space<vmem>>
        %dma_start3A_69 = tpu.memref_squeeze %dma_start3A_68 : memref<1x128xi32, #tpu.memory_space<vmem>> -> memref<128xi32, #tpu.memory_space<vmem>>
        %dma_start3A_70 = arith.constant 0 : i32
        %dma_start3A_71 = arith.constant 0 : i32
        %dma_start3A_72 = tpu.memref_slice %arg10[%dma_start3A_70, %dma_start3A_71] : memref<10000x128xf32, #tpu.memory_space<vmem_shared>> -> memref<10000x128xf32, #tpu.memory_space<vmem_shared>>
        tpu.enqueue_indirect_dma source(%arg8 : memref<128x128xf32, #tpu.memory_space<vmem>>) target(%dma_start3A_72 : memref<10000x128xf32, #tpu.memory_space<vmem_shared>>) offsets(%dma_start3A_69 : memref<128xi32, #tpu.memory_space<vmem>>) semaphore(%run_scoped3A_66 : memref<!tpu.dma_semaphore, #tpu.memory_space<semaphore_mem>>) {add = true}
        %dma_wait3A_73 = arith.constant 0 : i32
        %dma_wait3A_74 = tpu.memref_slice %arg6[%run_scoped3A, %dma_wait3A_73] : memref<2x128xi32, #tpu.memory_space<vmem>> -> memref<1x128xi32, #tpu.memory_space<vmem>>
        %dma_wait3A_75 = tpu.memref_squeeze %dma_wait3A_74 : memref<1x128xi32, #tpu.memory_space<vmem>> -> memref<128xi32, #tpu.memory_space<vmem>>
        %dma_wait3A_76 = arith.constant 0 : i32
        %dma_wait3A_77 = arith.constant 0 : i32
        %dma_wait3A_78 = tpu.memref_slice %arg10[%dma_wait3A_76, %dma_wait3A_77] : memref<10000x128xf32, #tpu.memory_space<vmem_shared>> -> memref<10000x128xf32, #tpu.memory_space<vmem_shared>>
        tpu.wait_indirect_dma semaphore(%run_scoped3A_66 : memref<!tpu.dma_semaphore, #tpu.memory_space<semaphore_mem>>) src(%arg8 : memref<128x128xf32, #tpu.memory_space<vmem>>) dst(%dma_wait3A_78 : memref<10000x128xf32, #tpu.memory_space<vmem_shared>>)
        tpu.yield
      }) : () -> ()
    } else {
    }
    %barrier3A_37 = arith.constant 0 : index
    tpu.barrier barrier_id(%barrier3A_37)
    %lt3A_38 = arith.constant 15 : i32
    %lt3A_39 = arith.cmpi slt, %arg1, %lt3A_38 : i32
    %convert_element_type3A_40 = arith.extui %lt3A_39 : i1 to i32
    %cond3A_41 = arith.constant 0 : i32
    %cond3A_42 = arith.cmpi ne, %convert_element_type3A_40, %cond3A_41 : i32
    scf.if %cond3A_42 {
      %mul3A_48 = arith.constant 624 : i32
      %mul3A_49 = arith.muli %arg1, %mul3A_48 : i32
      %mul3A_50 = arith.constant 10000 : i32
      %mul3A_51 = arith.muli %arg0, %mul3A_50 : i32
      %mul3A_52 = arith.constant 624 : i32
      %mul3A_53 = arith.muli %arg1, %mul3A_52 : i32
      %add3A_54 = arith.addi %mul3A_51, %mul3A_53 : i32
      "tpu.region"() ({
        %run_scoped3A = tpu.sem_alloc : memref<!tpu.dma_semaphore, #tpu.memory_space<semaphore_mem>>
        %dma_start3A_55 = arith.constant 0 : i32
        %dma_start3A_56 = tpu.memref_slice %arg5[%add3A_54, %dma_start3A_55] : memref<20000x128xf32, #tpu.memory_space<hbm>> -> memref<624x128xf32, #tpu.memory_space<hbm>>
        %dma_start3A_57 = arith.constant 0 : i32
        %dma_start3A_58 = tpu.memref_slice %arg10[%mul3A_49, %dma_start3A_57] : memref<10000x128xf32, #tpu.memory_space<vmem_shared>> -> memref<624x128xf32, #tpu.memory_space<vmem_shared>>
        tpu.enqueue_dma source(%dma_start3A_58 : memref<624x128xf32, #tpu.memory_space<vmem_shared>>) target(%dma_start3A_56 : memref<624x128xf32, #tpu.memory_space<hbm>>) target_semaphore(%run_scoped3A : memref<!tpu.dma_semaphore, #tpu.memory_space<semaphore_mem>>)
        %dma_wait3A_59 = arith.constant 0 : i32
        %dma_wait3A_60 = tpu.memref_slice %arg5[%add3A_54, %dma_wait3A_59] : memref<20000x128xf32, #tpu.memory_space<hbm>> -> memref<624x128xf32, #tpu.memory_space<hbm>>
        %dma_wait3A_61 = arith.constant 0 : i32
        %dma_wait3A_62 = tpu.memref_slice %arg10[%mul3A_49, %dma_wait3A_61] : memref<10000x128xf32, #tpu.memory_space<vmem_shared>> -> memref<624x128xf32, #tpu.memory_space<vmem_shared>>
        tpu.wait_dma2 semaphore(%run_scoped3A : memref<!tpu.dma_semaphore, #tpu.memory_space<semaphore_mem>>) src(%dma_wait3A_62 : memref<624x128xf32, #tpu.memory_space<vmem_shared>>) dst(%dma_wait3A_60 : memref<624x128xf32, #tpu.memory_space<hbm>>)
        tpu.yield
      }) : () -> ()
    } else {
    }
    %eq3A_43 = arith.constant 15 : i32
    %eq3A_44 = arith.cmpi eq, %arg1, %eq3A_43 : i32
    %convert_element_type3A_45 = arith.extui %eq3A_44 : i1 to i32
    %cond3A_46 = arith.constant 0 : i32
    %cond3A_47 = arith.cmpi ne, %convert_element_type3A_45, %cond3A_46 : i32
    scf.if %cond3A_47 {
      %mul3A_48 = arith.constant 10000 : i32
      %mul3A_49 = arith.muli %arg0, %mul3A_48 : i32
      %add3A_50 = arith.constant 9360 : i32
      %add3A_51 = arith.addi %mul3A_49, %add3A_50 : i32
      "tpu.region"() ({
        %run_scoped3A = tpu.sem_alloc : memref<!tpu.dma_semaphore, #tpu.memory_space<semaphore_mem>>
        %dma_start3A_52 = arith.constant 0 : i32
        %dma_start3A_53 = tpu.memref_slice %arg5[%add3A_51, %dma_start3A_52] : memref<20000x128xf32, #tpu.memory_space<hbm>> -> memref<640x128xf32, #tpu.memory_space<hbm>>
        %dma_start3A_54 = arith.constant 9360 : i32
        %dma_start3A_55 = arith.constant 0 : i32
        %dma_start3A_56 = tpu.memref_slice %arg10[%dma_start3A_54, %dma_start3A_55] : memref<10000x128xf32, #tpu.memory_space<vmem_shared>> -> memref<640x128xf32, #tpu.memory_space<vmem_shared>>
        tpu.enqueue_dma source(%dma_start3A_56 : memref<640x128xf32, #tpu.memory_space<vmem_shared>>) target(%dma_start3A_53 : memref<640x128xf32, #tpu.memory_space<hbm>>) target_semaphore(%run_scoped3A : memref<!tpu.dma_semaphore, #tpu.memory_space<semaphore_mem>>)
        %dma_wait3A_57 = arith.constant 0 : i32
        %dma_wait3A_58 = tpu.memref_slice %arg5[%add3A_51, %dma_wait3A_57] : memref<20000x128xf32, #tpu.memory_space<hbm>> -> memref<640x128xf32, #tpu.memory_space<hbm>>
        %dma_wait3A_59 = arith.constant 9360 : i32
        %dma_wait3A_60 = arith.constant 0 : i32
        %dma_wait3A_61 = tpu.memref_slice %arg10[%dma_wait3A_59, %dma_wait3A_60] : memref<10000x128xf32, #tpu.memory_space<vmem_shared>> -> memref<640x128xf32, #tpu.memory_space<vmem_shared>>
        tpu.wait_dma2 semaphore(%run_scoped3A : memref<!tpu.dma_semaphore, #tpu.memory_space<semaphore_mem>>) src(%dma_wait3A_61 : memref<640x128xf32, #tpu.memory_space<vmem_shared>>) dst(%dma_wait3A_58 : memref<640x128xf32, #tpu.memory_space<hbm>>)
        tpu.yield
      }) : () -> ()
    } else {
    }
    return
  }
}

#map = affine_map<(d0, d1) -> (0, 0)>
module attributes {stable_mosaic.version = 14 : i64} {
  func.func @deg_kernel(%arg0: i32, %arg1: i32, %arg2: memref<2x320000xi32, #tpu.memory_space<hbm>>, %arg3: memref<640x128xf32, #tpu.memory_space<hbm>>, %arg4: memref<128x128xf32, #tpu.memory_space<hbm>>, %arg5: memref<20000x128xf32, #tpu.memory_space<hbm>>, %arg6: memref<2x128xi32, #tpu.memory_space<vmem>>, %arg7: memref<2x128xi32, #tpu.memory_space<vmem>>, %arg8: memref<128x128xf32, #tpu.memory_space<vmem>>, %arg9: memref<10000x128xf32, #tpu.memory_space<vmem_shared>>, %arg10: memref<!tpu.dma_semaphore, #tpu.memory_space<semaphore_mem>>, %arg11: memref<!tpu.dma_semaphore, #tpu.memory_space<semaphore_mem>>) attributes {dimension_semantics = [#tpu.dimension_semantics<core_parallel>, #tpu.dimension_semantics<subcore_parallel>], iteration_bounds = array<i64: 2, 16>, scalar_prefetch = 0 : i64, scratch_operands = 6 : i64, tpu.core_type = #tpu.core_type<sc_vector_subcore>, window_params = [{transform_indices = #map}, {transform_indices = #map}, {transform_indices = #map}, {transform_indices = #map}]} {
    %mul3A = arith.constant 16 : i32
    %mul3A_0 = arith.muli %arg0, %mul3A : i32
    %add3A = arith.addi %mul3A_0, %arg1 : i32
    %lt3A = arith.constant 15 : i32
    %lt3A_1 = arith.cmpi slt, %arg1, %lt3A : i32
    %convert_element_type3A = arith.extui %lt3A_1 : i1 to i32
    %cond3A = arith.constant 0 : i32
    %cond3A_2 = arith.cmpi ne, %convert_element_type3A, %cond3A : i32
    scf.if %cond3A_2 {
      %mul3A_42 = arith.constant 624 : i32
      %mul3A_43 = arith.muli %arg1, %mul3A_42 : i32
      "tpu.region"() ({
        %run_scoped3A = tpu.sem_alloc : memref<!tpu.dma_semaphore, #tpu.memory_space<semaphore_mem>>
        %dma_start3A = arith.constant 0 : i32
        %dma_start3A_44 = tpu.memref_slice %arg9[%mul3A_43, %dma_start3A] : memref<10000x128xf32, #tpu.memory_space<vmem_shared>> -> memref<624x128xf32, #tpu.memory_space<vmem_shared>>
        %dma_start3A_45 = arith.constant 0 : i32
        %dma_start3A_46 = arith.constant 0 : i32
        %dma_start3A_47 = tpu.memref_slice %arg3[%dma_start3A_45, %dma_start3A_46] : memref<640x128xf32, #tpu.memory_space<hbm>> -> memref<624x128xf32, #tpu.memory_space<hbm>>
        tpu.enqueue_dma source(%dma_start3A_47 : memref<624x128xf32, #tpu.memory_space<hbm>>) target(%dma_start3A_44 : memref<624x128xf32, #tpu.memory_space<vmem_shared>>) target_semaphore(%run_scoped3A : memref<!tpu.dma_semaphore, #tpu.memory_space<semaphore_mem>>)
        %dma_wait3A_48 = arith.constant 0 : i32
        %dma_wait3A_49 = tpu.memref_slice %arg9[%mul3A_43, %dma_wait3A_48] : memref<10000x128xf32, #tpu.memory_space<vmem_shared>> -> memref<624x128xf32, #tpu.memory_space<vmem_shared>>
        %dma_wait3A_50 = arith.constant 0 : i32
        %dma_wait3A_51 = arith.constant 0 : i32
        %dma_wait3A_52 = tpu.memref_slice %arg3[%dma_wait3A_50, %dma_wait3A_51] : memref<640x128xf32, #tpu.memory_space<hbm>> -> memref<624x128xf32, #tpu.memory_space<hbm>>
        tpu.wait_dma2 semaphore(%run_scoped3A : memref<!tpu.dma_semaphore, #tpu.memory_space<semaphore_mem>>) src(%dma_wait3A_52 : memref<624x128xf32, #tpu.memory_space<hbm>>) dst(%dma_wait3A_49 : memref<624x128xf32, #tpu.memory_space<vmem_shared>>)
        tpu.yield
      }) : () -> ()
    } else {
    }
    %eq3A = arith.constant 15 : i32
    %eq3A_3 = arith.cmpi eq, %arg1, %eq3A : i32
    %convert_element_type3A_4 = arith.extui %eq3A_3 : i1 to i32
    %cond3A_5 = arith.constant 0 : i32
    %cond3A_6 = arith.cmpi ne, %convert_element_type3A_4, %cond3A_5 : i32
    scf.if %cond3A_6 {
      "tpu.region"() ({
        %run_scoped3A = tpu.sem_alloc : memref<!tpu.dma_semaphore, #tpu.memory_space<semaphore_mem>>
        %dma_start3A = arith.constant 9360 : i32
        %dma_start3A_42 = arith.constant 0 : i32
        %dma_start3A_43 = tpu.memref_slice %arg9[%dma_start3A, %dma_start3A_42] : memref<10000x128xf32, #tpu.memory_space<vmem_shared>> -> memref<640x128xf32, #tpu.memory_space<vmem_shared>>
        tpu.enqueue_dma source(%arg3 : memref<640x128xf32, #tpu.memory_space<hbm>>) target(%dma_start3A_43 : memref<640x128xf32, #tpu.memory_space<vmem_shared>>) target_semaphore(%run_scoped3A : memref<!tpu.dma_semaphore, #tpu.memory_space<semaphore_mem>>)
        %dma_wait3A_44 = arith.constant 9360 : i32
        %dma_wait3A_45 = arith.constant 0 : i32
        %dma_wait3A_46 = tpu.memref_slice %arg9[%dma_wait3A_44, %dma_wait3A_45] : memref<10000x128xf32, #tpu.memory_space<vmem_shared>> -> memref<640x128xf32, #tpu.memory_space<vmem_shared>>
        tpu.wait_dma2 semaphore(%run_scoped3A : memref<!tpu.dma_semaphore, #tpu.memory_space<semaphore_mem>>) src(%arg3 : memref<640x128xf32, #tpu.memory_space<hbm>>) dst(%dma_wait3A_46 : memref<640x128xf32, #tpu.memory_space<vmem_shared>>)
        tpu.yield
      }) : () -> ()
    } else {
    }
    "tpu.region"() ({
      %run_scoped3A = tpu.sem_alloc : memref<!tpu.dma_semaphore, #tpu.memory_space<semaphore_mem>>
      tpu.enqueue_dma source(%arg4 : memref<128x128xf32, #tpu.memory_space<hbm>>) target(%arg8 : memref<128x128xf32, #tpu.memory_space<vmem>>) target_semaphore(%run_scoped3A : memref<!tpu.dma_semaphore, #tpu.memory_space<semaphore_mem>>)
      tpu.wait_dma2 semaphore(%run_scoped3A : memref<!tpu.dma_semaphore, #tpu.memory_space<semaphore_mem>>) src(%arg4 : memref<128x128xf32, #tpu.memory_space<hbm>>) dst(%arg8 : memref<128x128xf32, #tpu.memory_space<vmem>>)
      tpu.yield
    }) : () -> ()
    %barrier3A = arith.constant 0 : index
    tpu.barrier barrier_id(%barrier3A)
    %mul3A_7 = arith.constant 128 : i32
    %mul3A_8 = arith.muli %add3A, %mul3A_7 : i32
    "tpu.region"() ({
      %run_scoped3A = tpu.sem_alloc : memref<!tpu.dma_semaphore, #tpu.memory_space<semaphore_mem>>
      %dma_start3A = arith.constant 0 : i32
      %dma_start3A_42 = tpu.memref_slice %arg2[%dma_start3A, %mul3A_8] : memref<2x320000xi32, #tpu.memory_space<hbm>> -> memref<2x128xi32, #tpu.memory_space<hbm>>
      %dma_start3A_43 = arith.constant 0 : i32
      %dma_start3A_44 = tpu.memref_slice %arg2[%dma_start3A_43, %mul3A_8] : memref<2x320000xi32, #tpu.memory_space<hbm>> -> memref<2x128xi32, #tpu.memory_space<hbm>>
      tpu.enqueue_dma source(%dma_start3A_44 : memref<2x128xi32, #tpu.memory_space<hbm>>) target(%arg6 : memref<2x128xi32, #tpu.memory_space<vmem>>) target_semaphore(%run_scoped3A : memref<!tpu.dma_semaphore, #tpu.memory_space<semaphore_mem>>)
      %dma_wait3A_45 = arith.constant 0 : i32
      %dma_wait3A_46 = tpu.memref_slice %arg2[%dma_wait3A_45, %mul3A_8] : memref<2x320000xi32, #tpu.memory_space<hbm>> -> memref<2x128xi32, #tpu.memory_space<hbm>>
      %dma_wait3A_47 = arith.constant 0 : i32
      %dma_wait3A_48 = tpu.memref_slice %arg2[%dma_wait3A_47, %mul3A_8] : memref<2x320000xi32, #tpu.memory_space<hbm>> -> memref<2x128xi32, #tpu.memory_space<hbm>>
      tpu.wait_dma2 semaphore(%run_scoped3A : memref<!tpu.dma_semaphore, #tpu.memory_space<semaphore_mem>>) src(%dma_wait3A_48 : memref<2x128xi32, #tpu.memory_space<hbm>>) dst(%arg6 : memref<2x128xi32, #tpu.memory_space<vmem>>)
      tpu.yield
    }) : () -> ()
    %scan3A = arith.constant 0 : i32
    %scan3A_9 = arith.constant 39 : i32
    %scan3A_10 = arith.addi %scan3A, %scan3A_9 : i32
    %scan3A_11 = arith.constant 1 : i32
    scf.for %scan3A_42 = %scan3A to %scan3A_10 step %scan3A_11  : i32 {
      %mul3A_43 = arith.constant 1 : i32
      %mul3A_44 = arith.muli %scan3A_42, %mul3A_43 : i32
      %add3A_45 = arith.constant 0 : i32
      %add3A_46 = arith.addi %add3A_45, %mul3A_44 : i32
      %mul3A_47 = arith.constant 2 : i32
      %mul3A_48 = arith.muli %mul3A_47, %add3A_46 : i32
      %mul3A_49 = arith.constant 32 : i32
      %mul3A_50 = arith.muli %mul3A_48, %mul3A_49 : i32
      %add3A_51 = arith.addi %mul3A_50, %add3A : i32
      %mul3A_52 = arith.constant 128 : i32
      %mul3A_53 = arith.muli %add3A_51, %mul3A_52 : i32
      %dma_start3A = arith.constant 1 : i32
      %dma_start3A_54 = arith.constant 0 : i32
      %dma_start3A_55 = tpu.memref_slice %arg6[%dma_start3A, %dma_start3A_54] : memref<2x128xi32, #tpu.memory_space<vmem>> -> memref<1x128xi32, #tpu.memory_space<vmem>>
      %dma_start3A_56 = tpu.memref_squeeze %dma_start3A_55 : memref<1x128xi32, #tpu.memory_space<vmem>> -> memref<128xi32, #tpu.memory_space<vmem>>
      %dma_start3A_57 = arith.constant 0 : i32
      %dma_start3A_58 = arith.constant 0 : i32
      %dma_start3A_59 = tpu.memref_slice %arg9[%dma_start3A_57, %dma_start3A_58] : memref<10000x128xf32, #tpu.memory_space<vmem_shared>> -> memref<10000x128xf32, #tpu.memory_space<vmem_shared>>
      tpu.enqueue_indirect_dma source(%arg8 : memref<128x128xf32, #tpu.memory_space<vmem>>) target(%dma_start3A_59 : memref<10000x128xf32, #tpu.memory_space<vmem_shared>>) offsets(%dma_start3A_56 : memref<128xi32, #tpu.memory_space<vmem>>) semaphore(%arg10 : memref<!tpu.dma_semaphore, #tpu.memory_space<semaphore_mem>>) {add = true}
      %gt3A = arith.constant 0 : i32
      %gt3A_60 = arith.cmpi sgt, %add3A_46, %gt3A : i32
      %convert_element_type3A_61 = arith.extui %gt3A_60 : i1 to i32
      %cond3A_62 = arith.constant 0 : i32
      %cond3A_63 = arith.cmpi ne, %convert_element_type3A_61, %cond3A_62 : i32
      scf.if %cond3A_63 {
        %dma_wait3A_78 = arith.constant 1 : i32
        %dma_wait3A_79 = arith.constant 0 : i32
        %dma_wait3A_80 = tpu.memref_slice %arg7[%dma_wait3A_78, %dma_wait3A_79] : memref<2x128xi32, #tpu.memory_space<vmem>> -> memref<1x128xi32, #tpu.memory_space<vmem>>
        %dma_wait3A_81 = tpu.memref_squeeze %dma_wait3A_80 : memref<1x128xi32, #tpu.memory_space<vmem>> -> memref<128xi32, #tpu.memory_space<vmem>>
        %dma_wait3A_82 = arith.constant 0 : i32
        %dma_wait3A_83 = arith.constant 0 : i32
        %dma_wait3A_84 = tpu.memref_slice %arg9[%dma_wait3A_82, %dma_wait3A_83] : memref<10000x128xf32, #tpu.memory_space<vmem_shared>> -> memref<10000x128xf32, #tpu.memory_space<vmem_shared>>
        tpu.wait_indirect_dma semaphore(%arg11 : memref<!tpu.dma_semaphore, #tpu.memory_space<semaphore_mem>>) src(%arg8 : memref<128x128xf32, #tpu.memory_space<vmem>>) dst(%dma_wait3A_84 : memref<10000x128xf32, #tpu.memory_space<vmem_shared>>)
      } else {
      }
      %add3A_64 = arith.constant 4096 : i32
      %add3A_65 = arith.addi %mul3A_53, %add3A_64 : i32
      "tpu.region"() ({
        %run_scoped3A = tpu.sem_alloc : memref<!tpu.dma_semaphore, #tpu.memory_space<semaphore_mem>>
        %dma_start3A_78 = arith.constant 0 : i32
        %dma_start3A_79 = tpu.memref_slice %arg2[%dma_start3A_78, %add3A_65] : memref<2x320000xi32, #tpu.memory_space<hbm>> -> memref<2x128xi32, #tpu.memory_space<hbm>>
        %dma_start3A_80 = arith.constant 0 : i32
        %dma_start3A_81 = tpu.memref_slice %arg2[%dma_start3A_80, %add3A_65] : memref<2x320000xi32, #tpu.memory_space<hbm>> -> memref<2x128xi32, #tpu.memory_space<hbm>>
        tpu.enqueue_dma source(%dma_start3A_81 : memref<2x128xi32, #tpu.memory_space<hbm>>) target(%arg7 : memref<2x128xi32, #tpu.memory_space<vmem>>) target_semaphore(%run_scoped3A : memref<!tpu.dma_semaphore, #tpu.memory_space<semaphore_mem>>)
        %dma_wait3A_82 = arith.constant 0 : i32
        %dma_wait3A_83 = tpu.memref_slice %arg2[%dma_wait3A_82, %add3A_65] : memref<2x320000xi32, #tpu.memory_space<hbm>> -> memref<2x128xi32, #tpu.memory_space<hbm>>
        %dma_wait3A_84 = arith.constant 0 : i32
        %dma_wait3A_85 = tpu.memref_slice %arg2[%dma_wait3A_84, %add3A_65] : memref<2x320000xi32, #tpu.memory_space<hbm>> -> memref<2x128xi32, #tpu.memory_space<hbm>>
        tpu.wait_dma2 semaphore(%run_scoped3A : memref<!tpu.dma_semaphore, #tpu.memory_space<semaphore_mem>>) src(%dma_wait3A_85 : memref<2x128xi32, #tpu.memory_space<hbm>>) dst(%arg7 : memref<2x128xi32, #tpu.memory_space<vmem>>)
        tpu.yield
      }) : () -> ()
      %dma_start3A_66 = arith.constant 1 : i32
      %dma_start3A_67 = arith.constant 0 : i32
      %dma_start3A_68 = tpu.memref_slice %arg7[%dma_start3A_66, %dma_start3A_67] : memref<2x128xi32, #tpu.memory_space<vmem>> -> memref<1x128xi32, #tpu.memory_space<vmem>>
      %dma_start3A_69 = tpu.memref_squeeze %dma_start3A_68 : memref<1x128xi32, #tpu.memory_space<vmem>> -> memref<128xi32, #tpu.memory_space<vmem>>
      %dma_start3A_70 = arith.constant 0 : i32
      %dma_start3A_71 = arith.constant 0 : i32
      %dma_start3A_72 = tpu.memref_slice %arg9[%dma_start3A_70, %dma_start3A_71] : memref<10000x128xf32, #tpu.memory_space<vmem_shared>> -> memref<10000x128xf32, #tpu.memory_space<vmem_shared>>
      tpu.enqueue_indirect_dma source(%arg8 : memref<128x128xf32, #tpu.memory_space<vmem>>) target(%dma_start3A_72 : memref<10000x128xf32, #tpu.memory_space<vmem_shared>>) offsets(%dma_start3A_69 : memref<128xi32, #tpu.memory_space<vmem>>) semaphore(%arg11 : memref<!tpu.dma_semaphore, #tpu.memory_space<semaphore_mem>>) {add = true}
      %lt3A_73 = arith.constant 38 : i32
      %lt3A_74 = arith.cmpi slt, %add3A_46, %lt3A_73 : i32
      %convert_element_type3A_75 = arith.extui %lt3A_74 : i1 to i32
      %cond3A_76 = arith.constant 0 : i32
      %cond3A_77 = arith.cmpi ne, %convert_element_type3A_75, %cond3A_76 : i32
      scf.if %cond3A_77 {
        %dma_wait3A_78 = arith.constant 1 : i32
        %dma_wait3A_79 = arith.constant 0 : i32
        %dma_wait3A_80 = tpu.memref_slice %arg6[%dma_wait3A_78, %dma_wait3A_79] : memref<2x128xi32, #tpu.memory_space<vmem>> -> memref<1x128xi32, #tpu.memory_space<vmem>>
        %dma_wait3A_81 = tpu.memref_squeeze %dma_wait3A_80 : memref<1x128xi32, #tpu.memory_space<vmem>> -> memref<128xi32, #tpu.memory_space<vmem>>
        %dma_wait3A_82 = arith.constant 0 : i32
        %dma_wait3A_83 = arith.constant 0 : i32
        %dma_wait3A_84 = tpu.memref_slice %arg9[%dma_wait3A_82, %dma_wait3A_83] : memref<10000x128xf32, #tpu.memory_space<vmem_shared>> -> memref<10000x128xf32, #tpu.memory_space<vmem_shared>>
        tpu.wait_indirect_dma semaphore(%arg10 : memref<!tpu.dma_semaphore, #tpu.memory_space<semaphore_mem>>) src(%arg8 : memref<128x128xf32, #tpu.memory_space<vmem>>) dst(%dma_wait3A_84 : memref<10000x128xf32, #tpu.memory_space<vmem_shared>>)
        %add3A_85 = arith.constant 8192 : i32
        %add3A_86 = arith.addi %mul3A_53, %add3A_85 : i32
        "tpu.region"() ({
          %run_scoped3A = tpu.sem_alloc : memref<!tpu.dma_semaphore, #tpu.memory_space<semaphore_mem>>
          %dma_start3A_87 = arith.constant 0 : i32
          %dma_start3A_88 = tpu.memref_slice %arg2[%dma_start3A_87, %add3A_86] : memref<2x320000xi32, #tpu.memory_space<hbm>> -> memref<2x128xi32, #tpu.memory_space<hbm>>
          %dma_start3A_89 = arith.constant 0 : i32
          %dma_start3A_90 = tpu.memref_slice %arg2[%dma_start3A_89, %add3A_86] : memref<2x320000xi32, #tpu.memory_space<hbm>> -> memref<2x128xi32, #tpu.memory_space<hbm>>
          tpu.enqueue_dma source(%dma_start3A_90 : memref<2x128xi32, #tpu.memory_space<hbm>>) target(%arg6 : memref<2x128xi32, #tpu.memory_space<vmem>>) target_semaphore(%run_scoped3A : memref<!tpu.dma_semaphore, #tpu.memory_space<semaphore_mem>>)
          %dma_wait3A_91 = arith.constant 0 : i32
          %dma_wait3A_92 = tpu.memref_slice %arg2[%dma_wait3A_91, %add3A_86] : memref<2x320000xi32, #tpu.memory_space<hbm>> -> memref<2x128xi32, #tpu.memory_space<hbm>>
          %dma_wait3A_93 = arith.constant 0 : i32
          %dma_wait3A_94 = tpu.memref_slice %arg2[%dma_wait3A_93, %add3A_86] : memref<2x320000xi32, #tpu.memory_space<hbm>> -> memref<2x128xi32, #tpu.memory_space<hbm>>
          tpu.wait_dma2 semaphore(%run_scoped3A : memref<!tpu.dma_semaphore, #tpu.memory_space<semaphore_mem>>) src(%dma_wait3A_94 : memref<2x128xi32, #tpu.memory_space<hbm>>) dst(%arg6 : memref<2x128xi32, #tpu.memory_space<vmem>>)
          tpu.yield
        }) : () -> ()
      } else {
      }
    }
    %scan3A_12 = arith.constant 39 : i32
    %dma_wait3A = arith.constant 1 : i32
    %dma_wait3A_13 = arith.constant 0 : i32
    %dma_wait3A_14 = tpu.memref_slice %arg6[%dma_wait3A, %dma_wait3A_13] : memref<2x128xi32, #tpu.memory_space<vmem>> -> memref<1x128xi32, #tpu.memory_space<vmem>>
    %dma_wait3A_15 = tpu.memref_squeeze %dma_wait3A_14 : memref<1x128xi32, #tpu.memory_space<vmem>> -> memref<128xi32, #tpu.memory_space<vmem>>
    %dma_wait3A_16 = arith.constant 0 : i32
    %dma_wait3A_17 = arith.constant 0 : i32
    %dma_wait3A_18 = tpu.memref_slice %arg9[%dma_wait3A_16, %dma_wait3A_17] : memref<10000x128xf32, #tpu.memory_space<vmem_shared>> -> memref<10000x128xf32, #tpu.memory_space<vmem_shared>>
    tpu.wait_indirect_dma semaphore(%arg10 : memref<!tpu.dma_semaphore, #tpu.memory_space<semaphore_mem>>) src(%arg8 : memref<128x128xf32, #tpu.memory_space<vmem>>) dst(%dma_wait3A_18 : memref<10000x128xf32, #tpu.memory_space<vmem_shared>>)
    %dma_wait3A_19 = arith.constant 1 : i32
    %dma_wait3A_20 = arith.constant 0 : i32
    %dma_wait3A_21 = tpu.memref_slice %arg7[%dma_wait3A_19, %dma_wait3A_20] : memref<2x128xi32, #tpu.memory_space<vmem>> -> memref<1x128xi32, #tpu.memory_space<vmem>>
    %dma_wait3A_22 = tpu.memref_squeeze %dma_wait3A_21 : memref<1x128xi32, #tpu.memory_space<vmem>> -> memref<128xi32, #tpu.memory_space<vmem>>
    %dma_wait3A_23 = arith.constant 0 : i32
    %dma_wait3A_24 = arith.constant 0 : i32
    %dma_wait3A_25 = tpu.memref_slice %arg9[%dma_wait3A_23, %dma_wait3A_24] : memref<10000x128xf32, #tpu.memory_space<vmem_shared>> -> memref<10000x128xf32, #tpu.memory_space<vmem_shared>>
    tpu.wait_indirect_dma semaphore(%arg11 : memref<!tpu.dma_semaphore, #tpu.memory_space<semaphore_mem>>) src(%arg8 : memref<128x128xf32, #tpu.memory_space<vmem>>) dst(%dma_wait3A_25 : memref<10000x128xf32, #tpu.memory_space<vmem_shared>>)
    %lt3A_26 = arith.constant 4 : i32
    %lt3A_27 = arith.cmpi slt, %add3A, %lt3A_26 : i32
    %convert_element_type3A_28 = arith.extui %lt3A_27 : i1 to i32
    %cond3A_29 = arith.constant 0 : i32
    %cond3A_30 = arith.cmpi ne, %convert_element_type3A_28, %cond3A_29 : i32
    scf.if %cond3A_30 {
      %add3A_42 = arith.constant 2496 : i32
      %add3A_43 = arith.addi %add3A_42, %add3A : i32
      %mul3A_44 = arith.constant 128 : i32
      %mul3A_45 = arith.muli %add3A_43, %mul3A_44 : i32
      "tpu.region"() ({
        %run_scoped3A_46 = tpu.sem_alloc : memref<!tpu.dma_semaphore, #tpu.memory_space<semaphore_mem>>
        %dma_start3A = arith.constant 0 : i32
        %dma_start3A_47 = tpu.memref_slice %arg2[%dma_start3A, %mul3A_45] : memref<2x320000xi32, #tpu.memory_space<hbm>> -> memref<2x128xi32, #tpu.memory_space<hbm>>
        %dma_start3A_48 = arith.constant 0 : i32
        %dma_start3A_49 = tpu.memref_slice %arg2[%dma_start3A_48, %mul3A_45] : memref<2x320000xi32, #tpu.memory_space<hbm>> -> memref<2x128xi32, #tpu.memory_space<hbm>>
        tpu.enqueue_dma source(%dma_start3A_49 : memref<2x128xi32, #tpu.memory_space<hbm>>) target(%arg6 : memref<2x128xi32, #tpu.memory_space<vmem>>) target_semaphore(%run_scoped3A_46 : memref<!tpu.dma_semaphore, #tpu.memory_space<semaphore_mem>>)
        %dma_wait3A_50 = arith.constant 0 : i32
        %dma_wait3A_51 = tpu.memref_slice %arg2[%dma_wait3A_50, %mul3A_45] : memref<2x320000xi32, #tpu.memory_space<hbm>> -> memref<2x128xi32, #tpu.memory_space<hbm>>
        %dma_wait3A_52 = arith.constant 0 : i32
        %dma_wait3A_53 = tpu.memref_slice %arg2[%dma_wait3A_52, %mul3A_45] : memref<2x320000xi32, #tpu.memory_space<hbm>> -> memref<2x128xi32, #tpu.memory_space<hbm>>
        tpu.wait_dma2 semaphore(%run_scoped3A_46 : memref<!tpu.dma_semaphore, #tpu.memory_space<semaphore_mem>>) src(%dma_wait3A_53 : memref<2x128xi32, #tpu.memory_space<hbm>>) dst(%arg6 : memref<2x128xi32, #tpu.memory_space<vmem>>)
        tpu.yield
      }) : () -> ()
      %run_scoped3A = arith.constant 1 : i32
      "tpu.region"() ({
        %run_scoped3A_46 = tpu.sem_alloc : memref<!tpu.dma_semaphore, #tpu.memory_space<semaphore_mem>>
        %dma_start3A = arith.constant 0 : i32
        %dma_start3A_47 = tpu.memref_slice %arg6[%run_scoped3A, %dma_start3A] : memref<2x128xi32, #tpu.memory_space<vmem>> -> memref<1x128xi32, #tpu.memory_space<vmem>>
        %dma_start3A_48 = tpu.memref_squeeze %dma_start3A_47 : memref<1x128xi32, #tpu.memory_space<vmem>> -> memref<128xi32, #tpu.memory_space<vmem>>
        %dma_start3A_49 = arith.constant 0 : i32
        %dma_start3A_50 = arith.constant 0 : i32
        %dma_start3A_51 = tpu.memref_slice %arg9[%dma_start3A_49, %dma_start3A_50] : memref<10000x128xf32, #tpu.memory_space<vmem_shared>> -> memref<10000x128xf32, #tpu.memory_space<vmem_shared>>
        tpu.enqueue_indirect_dma source(%arg8 : memref<128x128xf32, #tpu.memory_space<vmem>>) target(%dma_start3A_51 : memref<10000x128xf32, #tpu.memory_space<vmem_shared>>) offsets(%dma_start3A_48 : memref<128xi32, #tpu.memory_space<vmem>>) semaphore(%run_scoped3A_46 : memref<!tpu.dma_semaphore, #tpu.memory_space<semaphore_mem>>) {add = true}
        %dma_wait3A_52 = arith.constant 0 : i32
        %dma_wait3A_53 = tpu.memref_slice %arg6[%run_scoped3A, %dma_wait3A_52] : memref<2x128xi32, #tpu.memory_space<vmem>> -> memref<1x128xi32, #tpu.memory_space<vmem>>
        %dma_wait3A_54 = tpu.memref_squeeze %dma_wait3A_53 : memref<1x128xi32, #tpu.memory_space<vmem>> -> memref<128xi32, #tpu.memory_space<vmem>>
        %dma_wait3A_55 = arith.constant 0 : i32
        %dma_wait3A_56 = arith.constant 0 : i32
        %dma_wait3A_57 = tpu.memref_slice %arg9[%dma_wait3A_55, %dma_wait3A_56] : memref<10000x128xf32, #tpu.memory_space<vmem_shared>> -> memref<10000x128xf32, #tpu.memory_space<vmem_shared>>
        tpu.wait_indirect_dma semaphore(%run_scoped3A_46 : memref<!tpu.dma_semaphore, #tpu.memory_space<semaphore_mem>>) src(%arg8 : memref<128x128xf32, #tpu.memory_space<vmem>>) dst(%dma_wait3A_57 : memref<10000x128xf32, #tpu.memory_space<vmem_shared>>)
        tpu.yield
      }) : () -> ()
    } else {
    }
    %barrier3A_31 = arith.constant 0 : index
    tpu.barrier barrier_id(%barrier3A_31)
    %lt3A_32 = arith.constant 15 : i32
    %lt3A_33 = arith.cmpi slt, %arg1, %lt3A_32 : i32
    %convert_element_type3A_34 = arith.extui %lt3A_33 : i1 to i32
    %cond3A_35 = arith.constant 0 : i32
    %cond3A_36 = arith.cmpi ne, %convert_element_type3A_34, %cond3A_35 : i32
    scf.if %cond3A_36 {
      %mul3A_42 = arith.constant 624 : i32
      %mul3A_43 = arith.muli %arg1, %mul3A_42 : i32
      %mul3A_44 = arith.constant 10000 : i32
      %mul3A_45 = arith.muli %arg0, %mul3A_44 : i32
      %mul3A_46 = arith.constant 624 : i32
      %mul3A_47 = arith.muli %arg1, %mul3A_46 : i32
      %add3A_48 = arith.addi %mul3A_45, %mul3A_47 : i32
      "tpu.region"() ({
        %run_scoped3A = tpu.sem_alloc : memref<!tpu.dma_semaphore, #tpu.memory_space<semaphore_mem>>
        %dma_start3A = arith.constant 0 : i32
        %dma_start3A_49 = tpu.memref_slice %arg5[%add3A_48, %dma_start3A] : memref<20000x128xf32, #tpu.memory_space<hbm>> -> memref<624x128xf32, #tpu.memory_space<hbm>>
        %dma_start3A_50 = arith.constant 0 : i32
        %dma_start3A_51 = tpu.memref_slice %arg9[%mul3A_43, %dma_start3A_50] : memref<10000x128xf32, #tpu.memory_space<vmem_shared>> -> memref<624x128xf32, #tpu.memory_space<vmem_shared>>
        tpu.enqueue_dma source(%dma_start3A_51 : memref<624x128xf32, #tpu.memory_space<vmem_shared>>) target(%dma_start3A_49 : memref<624x128xf32, #tpu.memory_space<hbm>>) target_semaphore(%run_scoped3A : memref<!tpu.dma_semaphore, #tpu.memory_space<semaphore_mem>>)
        %dma_wait3A_52 = arith.constant 0 : i32
        %dma_wait3A_53 = tpu.memref_slice %arg5[%add3A_48, %dma_wait3A_52] : memref<20000x128xf32, #tpu.memory_space<hbm>> -> memref<624x128xf32, #tpu.memory_space<hbm>>
        %dma_wait3A_54 = arith.constant 0 : i32
        %dma_wait3A_55 = tpu.memref_slice %arg9[%mul3A_43, %dma_wait3A_54] : memref<10000x128xf32, #tpu.memory_space<vmem_shared>> -> memref<624x128xf32, #tpu.memory_space<vmem_shared>>
        tpu.wait_dma2 semaphore(%run_scoped3A : memref<!tpu.dma_semaphore, #tpu.memory_space<semaphore_mem>>) src(%dma_wait3A_55 : memref<624x128xf32, #tpu.memory_space<vmem_shared>>) dst(%dma_wait3A_53 : memref<624x128xf32, #tpu.memory_space<hbm>>)
        tpu.yield
      }) : () -> ()
    } else {
    }
    %eq3A_37 = arith.constant 15 : i32
    %eq3A_38 = arith.cmpi eq, %arg1, %eq3A_37 : i32
    %convert_element_type3A_39 = arith.extui %eq3A_38 : i1 to i32
    %cond3A_40 = arith.constant 0 : i32
    %cond3A_41 = arith.cmpi ne, %convert_element_type3A_39, %cond3A_40 : i32
    scf.if %cond3A_41 {
      %mul3A_42 = arith.constant 10000 : i32
      %mul3A_43 = arith.muli %arg0, %mul3A_42 : i32
      %add3A_44 = arith.constant 9360 : i32
      %add3A_45 = arith.addi %mul3A_43, %add3A_44 : i32
      "tpu.region"() ({
        %run_scoped3A = tpu.sem_alloc : memref<!tpu.dma_semaphore, #tpu.memory_space<semaphore_mem>>
        %dma_start3A = arith.constant 0 : i32
        %dma_start3A_46 = tpu.memref_slice %arg5[%add3A_45, %dma_start3A] : memref<20000x128xf32, #tpu.memory_space<hbm>> -> memref<640x128xf32, #tpu.memory_space<hbm>>
        %dma_start3A_47 = arith.constant 9360 : i32
        %dma_start3A_48 = arith.constant 0 : i32
        %dma_start3A_49 = tpu.memref_slice %arg9[%dma_start3A_47, %dma_start3A_48] : memref<10000x128xf32, #tpu.memory_space<vmem_shared>> -> memref<640x128xf32, #tpu.memory_space<vmem_shared>>
        tpu.enqueue_dma source(%dma_start3A_49 : memref<640x128xf32, #tpu.memory_space<vmem_shared>>) target(%dma_start3A_46 : memref<640x128xf32, #tpu.memory_space<hbm>>) target_semaphore(%run_scoped3A : memref<!tpu.dma_semaphore, #tpu.memory_space<semaphore_mem>>)
        %dma_wait3A_50 = arith.constant 0 : i32
        %dma_wait3A_51 = tpu.memref_slice %arg5[%add3A_45, %dma_wait3A_50] : memref<20000x128xf32, #tpu.memory_space<hbm>> -> memref<640x128xf32, #tpu.memory_space<hbm>>
        %dma_wait3A_52 = arith.constant 9360 : i32
        %dma_wait3A_53 = arith.constant 0 : i32
        %dma_wait3A_54 = tpu.memref_slice %arg9[%dma_wait3A_52, %dma_wait3A_53] : memref<10000x128xf32, #tpu.memory_space<vmem_shared>> -> memref<640x128xf32, #tpu.memory_space<vmem_shared>>
        tpu.wait_dma2 semaphore(%run_scoped3A : memref<!tpu.dma_semaphore, #tpu.memory_space<semaphore_mem>>) src(%dma_wait3A_54 : memref<640x128xf32, #tpu.memory_space<vmem_shared>>) dst(%dma_wait3A_51 : memref<640x128xf32, #tpu.memory_space<hbm>>)
        tpu.yield
      }) : () -> ()
    } else {
    }
    return
  }
}

module attributes {stable_mosaic.version = 14 : i64} {
  func.func @_m2_body(%arg0: i32, %arg1: memref<2x2000x128xf32, #tpu.memory_space<vmem>>, %arg2: memref<2000x128xf32, #tpu.memory_space<vmem>>, %arg3: memref<2x2000x128xf32, #tpu.memory_space<vmem>>, %arg4: memref<1x128xf32, #tpu.memory_space<vmem>>, %arg5: memref<128x128xf32, #tpu.memory_space<vmem>>, %arg6: memref<2000x128xf32, #tpu.memory_space<vmem>>) attributes {dimension_semantics = [#tpu.dimension_semantics<arbitrary>], iteration_bounds = array<i64: 5>, scalar_prefetch = 0 : i64, scratch_operands = 0 : i64, tpu.core_type = #tpu.core_type<tc>, window_params = [{transform_indices = @transform_0, window_bounds = array<i64: 2, 2000, 128>}, {transform_indices = @transform_1, window_bounds = array<i64: 2000, 128>}, {transform_indices = @transform_2, window_bounds = array<i64: 2, 2000, 128>}, {pipeline_mode = #tpu.pipeline_mode<synchronous>, transform_indices = @transform_3, window_bounds = array<i64: 1, 128>}, {pipeline_mode = #tpu.pipeline_mode<synchronous>, transform_indices = @transform_4, window_bounds = array<i64: 128, 128>}, {transform_indices = @transform_5, window_bounds = array<i64: 2000, 128>}]} {
    %get3A = arith.constant 0 : index
    %get3A_0 = arith.constant 0 : index
    %get3A_1 = arith.constant 0 : index
    %get3A_2 = vector.load %arg3[%get3A, %get3A_0, %get3A_1] : memref<2x2000x128xf32, #tpu.memory_space<vmem>>, vector<2x2000x128xf32>
    %slice3A = vector.extract_strided_slice %get3A_2 {offsets = [0, 0, 0], sizes = [1, 2000, 1], strides = [1, 1, 1]} : vector<2x2000x128xf32> to vector<1x2000x1xf32>
    %squeeze3A = vector.shape_cast %slice3A : vector<1x2000x1xf32> to vector<2000x1xf32>
    %slice3A_3 = vector.extract_strided_slice %get3A_2 {offsets = [1, 0, 0], sizes = [1, 2000, 1], strides = [1, 1, 1]} : vector<2x2000x128xf32> to vector<1x2000x1xf32>
    %squeeze3A_4 = vector.shape_cast %slice3A_3 : vector<1x2000x1xf32> to vector<2000x1xf32>
    %add3A = arith.addf %squeeze3A, %squeeze3A_4 : vector<2000x1xf32>
    %add3A_5 = arith.constant 1.000000e+00 : f32
    %add3A_6 = vector.broadcast %add3A_5 : f32 to vector<2000x1xf32>
    %add3A_7 = arith.addf %add3A, %add3A_6 : vector<2000x1xf32>
    %rsqrt3A = math.rsqrt %add3A_7 : vector<2000x1xf32>
    %get3A_8 = arith.constant 0 : index
    %get3A_9 = arith.constant 0 : index
    %get3A_10 = arith.constant 0 : index
    %get3A_11 = vector.load %arg1[%get3A_8, %get3A_9, %get3A_10] : memref<2x2000x128xf32, #tpu.memory_space<vmem>>, vector<2x2000x128xf32>
    %slice3A_12 = vector.extract_strided_slice %get3A_11 {offsets = [0, 0, 0], sizes = [1, 2000, 128], strides = [1, 1, 1]} : vector<2x2000x128xf32> to vector<1x2000x128xf32>
    %squeeze3A_13 = vector.shape_cast %slice3A_12 : vector<1x2000x128xf32> to vector<2000x128xf32>
    %slice3A_14 = vector.extract_strided_slice %get3A_11 {offsets = [1, 0, 0], sizes = [1, 2000, 128], strides = [1, 1, 1]} : vector<2x2000x128xf32> to vector<1x2000x128xf32>
    %squeeze3A_15 = vector.shape_cast %slice3A_14 : vector<1x2000x128xf32> to vector<2000x128xf32>
    %add3A_16 = arith.addf %squeeze3A_13, %squeeze3A_15 : vector<2000x128xf32>
    %get3A_17 = arith.constant 0 : index
    %get3A_18 = arith.constant 0 : index
    %get3A_19 = vector.load %arg2[%get3A_17, %get3A_18] : memref<2000x128xf32, #tpu.memory_space<vmem>>, vector<2000x128xf32>
    %add3A_20 = arith.addf %add3A_16, %get3A_19 : vector<2000x128xf32>
    %mul3A = vector.broadcast %rsqrt3A : vector<2000x1xf32> to vector<2000x128xf32>
    %mul3A_21 = arith.mulf %mul3A, %add3A_20 : vector<2000x128xf32>
    %get3A_22 = arith.constant 0 : index
    %get3A_23 = arith.constant 0 : index
    %get3A_24 = vector.load %arg4[%get3A_22, %get3A_23] : memref<1x128xf32, #tpu.memory_space<vmem>>, vector<1x128xf32>
    %add3A_25 = vector.broadcast %get3A_24 : vector<1x128xf32> to vector<2000x128xf32>
    %add3A_26 = arith.addf %mul3A_21, %add3A_25 : vector<2000x128xf32>
    %max3A = arith.constant 0.000000e+00 : f32
    %max3A_27 = vector.broadcast %max3A : f32 to vector<2000x128xf32>
    %max3A_28 = arith.maximumf %add3A_26, %max3A_27 : vector<2000x128xf32>
    %get3A_29 = arith.constant 0 : index
    %get3A_30 = arith.constant 0 : index
    %get3A_31 = vector.load %arg5[%get3A_29, %get3A_30] : memref<128x128xf32, #tpu.memory_space<vmem>>, vector<128x128xf32>
    %dot_general3A = arith.constant dense<0.000000e+00> : vector<2000x128xf32>
    %dot_general3A_32 = tpu.matmul %max3A_28, %get3A_31, %dot_general3A {dimension_numbers = #tpu.dot_dimension_numbers<[1], [0], [0], [1], [0, 0, 1, 1], [], []>, transpose_lhs_hint = false} : vector<2000x128xf32>, vector<128x128xf32>, vector<2000x128xf32> -> vector<2000x128xf32>
    %mul3A_33 = vector.broadcast %rsqrt3A : vector<2000x1xf32> to vector<2000x128xf32>
    %mul3A_34 = arith.mulf %mul3A_33, %dot_general3A_32 : vector<2000x128xf32>
    %swap3A = arith.constant 0 : index
    %swap3A_35 = arith.constant 0 : index
    %swap3A_36 = vector.load %arg6[%swap3A, %swap3A_35] : memref<2000x128xf32, #tpu.memory_space<vmem>>, vector<2000x128xf32>
    tpu.vector_store %arg6[%swap3A, %swap3A_35], %mul3A_34 {strides = array<i32>} : memref<2000x128xf32, #tpu.memory_space<vmem>>, vector<2000x128xf32>,
    return
  }
  func.func @transform_0(%arg0: i32) -> (i32, i32, i32) {
    %c0_i32 = arith.constant 0 : i32
    %c0_i32_0 = arith.constant 0 : i32
    %c0_i32_1 = arith.constant 0 : i32
    return %c0_i32, %arg0, %c0_i32_0 : i32, i32, i32
  }
  func.func @transform_1(%arg0: i32) -> (i32, i32) {
    %c0_i32 = arith.constant 0 : i32
    %c0_i32_0 = arith.constant 0 : i32
    return %arg0, %c0_i32 : i32, i32
  }
  func.func @transform_2(%arg0: i32) -> (i32, i32, i32) {
    %c0_i32 = arith.constant 0 : i32
    %c0_i32_0 = arith.constant 0 : i32
    %c0_i32_1 = arith.constant 0 : i32
    return %c0_i32, %arg0, %c0_i32_0 : i32, i32, i32
  }
  func.func @transform_3(%arg0: i32) -> (i32, i32) {
    %c0_i32 = arith.constant 0 : i32
    %c0_i32_0 = arith.constant 0 : i32
    %c0_i32_1 = arith.constant 0 : i32
    return %c0_i32, %c0_i32_0 : i32, i32
  }
  func.func @transform_4(%arg0: i32) -> (i32, i32) {
    %c0_i32 = arith.constant 0 : i32
    %c0_i32_0 = arith.constant 0 : i32
    %c0_i32_1 = arith.constant 0 : i32
    return %c0_i32, %c0_i32_0 : i32, i32
  }
  func.func @transform_5(%arg0: i32) -> (i32, i32) {
    %c0_i32 = arith.constant 0 : i32
    %c0_i32_0 = arith.constant 0 : i32
    return %arg0, %c0_i32 : i32, i32
  }
}

module attributes {stable_mosaic.version = 14 : i64} {
  func.func @_m1_body(%arg0: i32, %arg1: memref<2000x128xf32, #tpu.memory_space<vmem>>, %arg2: memref<128x128xf32, #tpu.memory_space<vmem>>, %arg3: memref<2x2000x128xf32, #tpu.memory_space<vmem>>, %arg4: memref<2000x128xf32, #tpu.memory_space<vmem>>) attributes {dimension_semantics = [#tpu.dimension_semantics<arbitrary>], iteration_bounds = array<i64: 5>, scalar_prefetch = 0 : i64, scratch_operands = 0 : i64, tpu.core_type = #tpu.core_type<tc>, window_params = [{transform_indices = @transform_0, window_bounds = array<i64: 2000, 128>}, {pipeline_mode = #tpu.pipeline_mode<synchronous>, transform_indices = @transform_1, window_bounds = array<i64: 128, 128>}, {transform_indices = @transform_2, window_bounds = array<i64: 2, 2000, 128>}, {transform_indices = @transform_3, window_bounds = array<i64: 2000, 128>}]} {
    %get3A = arith.constant 0 : index
    %get3A_0 = arith.constant 0 : index
    %get3A_1 = arith.constant 0 : index
    %get3A_2 = vector.load %arg3[%get3A, %get3A_0, %get3A_1] : memref<2x2000x128xf32, #tpu.memory_space<vmem>>, vector<2x2000x128xf32>
    %slice3A = vector.extract_strided_slice %get3A_2 {offsets = [0, 0, 0], sizes = [1, 2000, 1], strides = [1, 1, 1]} : vector<2x2000x128xf32> to vector<1x2000x1xf32>
    %squeeze3A = vector.shape_cast %slice3A : vector<1x2000x1xf32> to vector<2000x1xf32>
    %slice3A_3 = vector.extract_strided_slice %get3A_2 {offsets = [1, 0, 0], sizes = [1, 2000, 1], strides = [1, 1, 1]} : vector<2x2000x128xf32> to vector<1x2000x1xf32>
    %squeeze3A_4 = vector.shape_cast %slice3A_3 : vector<1x2000x1xf32> to vector<2000x1xf32>
    %add3A = arith.addf %squeeze3A, %squeeze3A_4 : vector<2000x1xf32>
    %add3A_5 = arith.constant 1.000000e+00 : f32
    %add3A_6 = vector.broadcast %add3A_5 : f32 to vector<2000x1xf32>
    %add3A_7 = arith.addf %add3A, %add3A_6 : vector<2000x1xf32>
    %rsqrt3A = math.rsqrt %add3A_7 : vector<2000x1xf32>
    %get3A_8 = arith.constant 0 : index
    %get3A_9 = arith.constant 0 : index
    %get3A_10 = vector.load %arg1[%get3A_8, %get3A_9] : memref<2000x128xf32, #tpu.memory_space<vmem>>, vector<2000x128xf32>
    %get3A_11 = arith.constant 0 : index
    %get3A_12 = arith.constant 0 : index
    %get3A_13 = vector.load %arg2[%get3A_11, %get3A_12] : memref<128x128xf32, #tpu.memory_space<vmem>>, vector<128x128xf32>
    %dot_general3A = arith.constant dense<0.000000e+00> : vector<2000x128xf32>
    %dot_general3A_14 = tpu.matmul %get3A_10, %get3A_13, %dot_general3A {dimension_numbers = #tpu.dot_dimension_numbers<[1], [0], [0], [1], [0, 0, 1, 1], [], []>, transpose_lhs_hint = false} : vector<2000x128xf32>, vector<128x128xf32>, vector<2000x128xf32> -> vector<2000x128xf32>
    %mul3A = vector.broadcast %rsqrt3A : vector<2000x1xf32> to vector<2000x128xf32>
    %mul3A_15 = arith.mulf %mul3A, %dot_general3A_14 : vector<2000x128xf32>
    %swap3A = arith.constant 0 : index
    %swap3A_16 = arith.constant 0 : index
    %swap3A_17 = vector.load %arg4[%swap3A, %swap3A_16] : memref<2000x128xf32, #tpu.memory_space<vmem>>, vector<2000x128xf32>
    tpu.vector_store %arg4[%swap3A, %swap3A_16], %mul3A_15 {strides = array<i32>} : memref<2000x128xf32, #tpu.memory_space<vmem>>, vector<2000x128xf32>,
    return
  }
  func.func @transform_0(%arg0: i32) -> (i32, i32) {
    %c0_i32 = arith.constant 0 : i32
    %c0_i32_0 = arith.constant 0 : i32
    return %arg0, %c0_i32 : i32, i32
  }
  func.func @transform_1(%arg0: i32) -> (i32, i32) {
    %c0_i32 = arith.constant 0 : i32
    %c0_i32_0 = arith.constant 0 : i32
    %c0_i32_1 = arith.constant 0 : i32
    return %c0_i32, %c0_i32_0 : i32, i32
  }
  func.func @transform_2(%arg0: i32) -> (i32, i32, i32) {
    %c0_i32 = arith.constant 0 : i32
    %c0_i32_0 = arith.constant 0 : i32
    %c0_i32_1 = arith.constant 0 : i32
    return %c0_i32, %arg0, %c0_i32_0 : i32, i32, i32
  }
  func.func @transform_3(%arg0: i32) -> (i32, i32) {
    %c0_i32 = arith.constant 0 : i32
    %c0_i32_0 = arith.constant 0 : i32
    return %arg0, %c0_i32 : i32, i32
  }
}

module attributes {stable_mosaic.version = 14 : i64} {
  func.func @_m3_body(%arg0: i32, %arg1: memref<2x2000x128xf32, #tpu.memory_space<vmem>>, %arg2: memref<2000x128xf32, #tpu.memory_space<vmem>>, %arg3: memref<2x2000x128xf32, #tpu.memory_space<vmem>>, %arg4: memref<1x128xf32, #tpu.memory_space<vmem>>, %arg5: memref<2000x128xf32, #tpu.memory_space<vmem>>) attributes {dimension_semantics = [#tpu.dimension_semantics<arbitrary>], iteration_bounds = array<i64: 5>, scalar_prefetch = 0 : i64, scratch_operands = 0 : i64, tpu.core_type = #tpu.core_type<tc>, window_params = [{transform_indices = @transform_0, window_bounds = array<i64: 2, 2000, 128>}, {transform_indices = @transform_1, window_bounds = array<i64: 2000, 128>}, {transform_indices = @transform_2, window_bounds = array<i64: 2, 2000, 128>}, {pipeline_mode = #tpu.pipeline_mode<synchronous>, transform_indices = @transform_3, window_bounds = array<i64: 1, 128>}, {transform_indices = @transform_4, window_bounds = array<i64: 2000, 128>}]} {
    %get3A = arith.constant 0 : index
    %get3A_0 = arith.constant 0 : index
    %get3A_1 = arith.constant 0 : index
    %get3A_2 = vector.load %arg3[%get3A, %get3A_0, %get3A_1] : memref<2x2000x128xf32, #tpu.memory_space<vmem>>, vector<2x2000x128xf32>
    %slice3A = vector.extract_strided_slice %get3A_2 {offsets = [0, 0, 0], sizes = [1, 2000, 1], strides = [1, 1, 1]} : vector<2x2000x128xf32> to vector<1x2000x1xf32>
    %squeeze3A = vector.shape_cast %slice3A : vector<1x2000x1xf32> to vector<2000x1xf32>
    %slice3A_3 = vector.extract_strided_slice %get3A_2 {offsets = [1, 0, 0], sizes = [1, 2000, 1], strides = [1, 1, 1]} : vector<2x2000x128xf32> to vector<1x2000x1xf32>
    %squeeze3A_4 = vector.shape_cast %slice3A_3 : vector<1x2000x1xf32> to vector<2000x1xf32>
    %add3A = arith.addf %squeeze3A, %squeeze3A_4 : vector<2000x1xf32>
    %add3A_5 = arith.constant 1.000000e+00 : f32
    %add3A_6 = vector.broadcast %add3A_5 : f32 to vector<2000x1xf32>
    %add3A_7 = arith.addf %add3A, %add3A_6 : vector<2000x1xf32>
    %rsqrt3A = math.rsqrt %add3A_7 : vector<2000x1xf32>
    %get3A_8 = arith.constant 0 : index
    %get3A_9 = arith.constant 0 : index
    %get3A_10 = arith.constant 0 : index
    %get3A_11 = vector.load %arg1[%get3A_8, %get3A_9, %get3A_10] : memref<2x2000x128xf32, #tpu.memory_space<vmem>>, vector<2x2000x128xf32>
    %slice3A_12 = vector.extract_strided_slice %get3A_11 {offsets = [0, 0, 0], sizes = [1, 2000, 128], strides = [1, 1, 1]} : vector<2x2000x128xf32> to vector<1x2000x128xf32>
    %squeeze3A_13 = vector.shape_cast %slice3A_12 : vector<1x2000x128xf32> to vector<2000x128xf32>
    %slice3A_14 = vector.extract_strided_slice %get3A_11 {offsets = [1, 0, 0], sizes = [1, 2000, 128], strides = [1, 1, 1]} : vector<2x2000x128xf32> to vector<1x2000x128xf32>
    %squeeze3A_15 = vector.shape_cast %slice3A_14 : vector<1x2000x128xf32> to vector<2000x128xf32>
    %add3A_16 = arith.addf %squeeze3A_13, %squeeze3A_15 : vector<2000x128xf32>
    %get3A_17 = arith.constant 0 : index
    %get3A_18 = arith.constant 0 : index
    %get3A_19 = vector.load %arg2[%get3A_17, %get3A_18] : memref<2000x128xf32, #tpu.memory_space<vmem>>, vector<2000x128xf32>
    %add3A_20 = arith.addf %add3A_16, %get3A_19 : vector<2000x128xf32>
    %mul3A = vector.broadcast %rsqrt3A : vector<2000x1xf32> to vector<2000x128xf32>
    %mul3A_21 = arith.mulf %mul3A, %add3A_20 : vector<2000x128xf32>
    %get3A_22 = arith.constant 0 : index
    %get3A_23 = arith.constant 0 : index
    %get3A_24 = vector.load %arg4[%get3A_22, %get3A_23] : memref<1x128xf32, #tpu.memory_space<vmem>>, vector<1x128xf32>
    %add3A_25 = vector.broadcast %get3A_24 : vector<1x128xf32> to vector<2000x128xf32>
    %add3A_26 = arith.addf %mul3A_21, %add3A_25 : vector<2000x128xf32>
    %swap3A = arith.constant 0 : index
    %swap3A_27 = arith.constant 0 : index
    %swap3A_28 = vector.load %arg5[%swap3A, %swap3A_27] : memref<2000x128xf32, #tpu.memory_space<vmem>>, vector<2000x128xf32>
    tpu.vector_store %arg5[%swap3A, %swap3A_27], %add3A_26 {strides = array<i32>} : memref<2000x128xf32, #tpu.memory_space<vmem>>, vector<2000x128xf32>,
    return
  }
  func.func @transform_0(%arg0: i32) -> (i32, i32, i32) {
    %c0_i32 = arith.constant 0 : i32
    %c0_i32_0 = arith.constant 0 : i32
    %c0_i32_1 = arith.constant 0 : i32
    return %c0_i32, %arg0, %c0_i32_0 : i32, i32, i32
  }
  func.func @transform_1(%arg0: i32) -> (i32, i32) {
    %c0_i32 = arith.constant 0 : i32
    %c0_i32_0 = arith.constant 0 : i32
    return %arg0, %c0_i32 : i32, i32
  }
  func.func @transform_2(%arg0: i32) -> (i32, i32, i32) {
    %c0_i32 = arith.constant 0 : i32
    %c0_i32_0 = arith.constant 0 : i32
    %c0_i32_1 = arith.constant 0 : i32
    return %c0_i32, %arg0, %c0_i32_0 : i32, i32, i32
  }
  func.func @transform_3(%arg0: i32) -> (i32, i32) {
    %c0_i32 = arith.constant 0 : i32
    %c0_i32_0 = arith.constant 0 : i32
    %c0_i32_1 = arith.constant 0 : i32
    return %c0_i32, %c0_i32_0 : i32, i32
  }
  func.func @transform_4(%arg0: i32) -> (i32, i32) {
    %c0_i32 = arith.constant 0 : i32
    %c0_i32_0 = arith.constant 0 : i32
    return %arg0, %c0_i32 : i32, i32
  }
}

</mosaic_0001>

<sc_bundles>
// kernel: kernel.11.cloned.1.call-start
scs
__scs_entry_jumppad:
0x0: {  	(pc) =	sbr.rel $0x88, $3  }
0x1: {  	(tag) =	ssettag $0x0;
	lr =	simm.s32 $0x1  }
0x2: {  	[smem:$0x3F9B] =	sst lr;
	_ =	strace $0xD0000000  }
0x3: {  	_ = 	snop  }
0x4: {  	_ = 	snop  }
0x5: {  	_ = 	snop  }
0x6: {  	_ = 	snop  }
0x7: {  	_ = 	snop  }
__scs_overlays_trampoline_lowered:
0x8: {  	[smem:$0x3FAA] =	sst s0  }
0x9: {  	[smem:$0x3FAB] =	sst s1  }
0xa: {  	[smem:$0x3FAC] =	sst s2  }
0xb: {  	[smem:$0x3FAD] =	sst s3  }
0xc: {  	[smem:$0x3FAE] =	sst s4  }
0xd: {  	[smem:$0x3FAF] =	sst s5  }
0xe: {  	[smem:$0x3FB0] =	sst s6  }
0xf: {  	[smem:$0x3FB1] =	sst s7  }
0x10: {  	[smem:$0x3FB2] =	sst s8  }
0x11: {  	[smem:$0x3FB3] =	sst s9;
	s0 =	simm.s32 @!p0 $0x0  }
0x12: {  	s1 =	sld [smem:$0x3F99];
	s0 =	simm.s32 @p0 $0x1  }
0x13: {  	[smem:$0x3FB4] =	sst s0;
	s0 =	simm.s32 @!p1 $0x0  }
0x14: {  	s2 =	sld [smem:$0x3F98];
	s0 =	simm.s32 @p1 $0x1  }
0x15: {  	[smem:$0x3FB5] =	sst s0;
	s0 =	simm.s32 @!p2 $0x0  }
0x16: {  	s3 =	sld [smem:$0x3FDB];
	s0 =	simm.s32 @p2 $0x1  }
0x17: {  	s4 =	simm.s32 $0x1BF5;
	[smem:$0x3FB7] =	sst s0  }
0x18: {  	s0 =	sld [smem:$0x3F9A];
	_ =	swait.ge [sflag:s4], $0x0  }
0x19: {  	s7 =	sld [smem:$0x3F9B]  }
0x1a: {  	s8 =	sadd.s32 $0xFFFFE003, lr  }
0x1b: {  	s9 =	sadd.s32 $0xFFFFFEF7, lr;
	s5 =	simm.s32 $0xFFFFFFFF;
	p2 =	slt.u32 s8, $0xFFFFF086  }
0x1c: {  	p1 =	slt.u32 s9, $0xF7A;
	s5 =	simm.s32 @!p2 $0x0  }
0x1d: {  	s5 =	simm.s32 @p1 $0x1;
	p0 =	seq.s32 s7, s2  }
0x1e: {  	s7 =	smul.u32 @!p0 $0xF7A, s2;
	p2 =	seq.s32 @!p0 s5, $0x0  }
0x1f: {  	s9 =	smul.u32 $0xF7A, s1;
	s8 =	simm.s32 @!p0 $0x1BF5;
	p2 =	por !p2, p0  }
0x20: {  	[sflag:s8] =	ssyncset.s32 @!p0 $0xFFFFF086;
	s6 =	sadd.s32 @!p0 s3, s7;
	s7 =	simm.s32 @!p0 $0x108  }
0x21: {  	s3 =	sadd.s32 s3, s9;
	s6 =	sadd.s32 @!p0 $0x88, s6;
	s7 =	simm.s32 @p2 $0x1082  }
0x22: {  	[simem:s7], [sflag:s8] =	dma.local @!p0 [hbm:s6], $0xF7A  }
0x23: {  	s9 =	sor.u32 $0xD0000000, s2;
	s6 =	simm.s32 $0x108;
	_ =	swait.ge @!p0 [sflag:s8], $0x0  }
0x24: {  	s3 =	sadd.s32 $0x88, s3;
	s6 =	simm.s32 @!p1 $0x1082;
	[sflag:s4] =	ssyncset.s32 $0xFFFFF086  }
0x25: {  	[simem:s6], [sflag:s4] =	dma.local [hbm:s3], $0xF7A  }
0x26: {  	[smem:$0x3F9B] =	sst s1;
	(tag) =	ssettag s2;
	_ =	strace s9  }
0x27: {  	s1 =	sld [smem:$0x3FAB]  }
0x28: {  	s2 =	sld [smem:$0x3FAC]  }
0x29: {  	s4 =	sld [smem:$0x3FAE]  }
0x2a: {  	p0 =	seq.s32 s5, $0x0;
	s5 =	sld [smem:$0x3FAF]  }
0x2b: {  	s6 =	sld [smem:$0x3FB0]  }
0x2c: {  	s7 =	sld [smem:$0x3FB1]  }
0x2d: {  	s3 =	simm.s32 $0x108;
	s8 =	sld [smem:$0x3FB2]  }
0x2e: {  	s3 =	simm.s32 @!p0 $0x1082;
	s9 =	sld [smem:$0x3FB3]  }
0x2f: {  	lr =	sadd.s32 s0, s3;
	s0 =	sld [smem:$0x3FAA]  }
0x30: {  	s3 =	sld [smem:$0x3FAD]  }
0x31: {  	[smem:$0x3FB6] =	sst s10  }
0x32: {  	s10 =	sld [smem:$0x3FB4];
	_ =	sdelay $0x3  }
0x33: {  	p0 =	seq.s32 s10, $0x1;
	s10 =	sld [smem:$0x3FB6];
	_ =	sdelay $0x3  }
0x34: {  	[smem:$0x3FB6] =	sst s10  }
0x35: {  	s10 =	sld [smem:$0x3FB5];
	_ =	sdelay $0x3  }
0x36: {  	p1 =	seq.s32 s10, $0x1;
	s10 =	sld [smem:$0x3FB6];
	_ =	sdelay $0x3  }
0x37: {  	[smem:$0x3FB6] =	sst s10  }
0x38: {  	s10 =	sld [smem:$0x3FB7]  }
0x39: {  	_ = 	snop;
	(pc) =	sbr.ind lr, $3  }
0x3a: {  	_ = 	snop  }
0x3b: {  	_ = 	snop  }
0x3c: {  	p2 =	seq.s32 s10, $0x1;
	s10 =	sld [smem:$0x3FB6]  }
0x3d: {  	_ =	shalt  }
0x3e: {  	_ =	shalt  }
0x3f: {  	_ =	shalt  }
0x40: {  	_ =	shalt  }
0x41: {  	_ =	shalt  }
0x42: {  	_ =	shalt  }
0x43: {  	_ =	shalt  }
0x44: {  	_ =	shalt  }
0x45: {  	_ =	shalt  }
0x46: {  	_ =	shalt  }
0x47: {  	_ =	shalt  }
0x48: {  	_ =	shalt  }
0x49: {  	_ =	shalt  }
0x4a: {  	_ =	shalt  }
0x4b: {  	_ =	shalt  }
0x4c: {  	_ =	shalt  }
0x4d: {  	_ =	shalt  }
0x4e: {  	_ =	shalt  }
0x4f: {  	_ =	shalt  }
0x50: {  	_ =	shalt  }
0x51: {  	_ =	shalt  }
0x52: {  	_ =	shalt  }
0x53: {  	_ =	shalt  }
0x54: {  	_ =	shalt  }
0x55: {  	_ =	shalt  }
0x56: {  	_ =	shalt  }
0x57: {  	_ =	shalt  }
0x58: {  	_ =	shalt  }
0x59: {  	_ =	shalt  }
0x5a: {  	_ =	shalt  }
0x5b: {  	_ =	shalt  }
0x5c: {  	_ =	shalt  }
0x5d: {  	_ =	shalt  }
0x5e: {  	_ =	shalt  }
0x5f: {  	_ =	shalt  }
0x60: {  	_ =	shalt  }
0x61: {  	_ =	shalt  }
0x62: {  	_ =	shalt  }
0x63: {  	_ =	shalt  }
0x64: {  	_ =	shalt  }
0x65: {  	_ =	shalt  }
0x66: {  	_ =	shalt  }
0x67: {  	_ =	shalt  }
0x68: {  	_ =	shalt  }
0x69: {  	_ =	shalt  }
0x6a: {  	_ =	shalt  }
0x6b: {  	_ =	shalt  }
0x6c: {  	_ =	shalt  }
0x6d: {  	_ =	shalt  }
0x6e: {  	_ =	shalt  }
0x6f: {  	_ =	shalt  }
0x70: {  	_ =	shalt  }
0x71: {  	_ =	shalt  }
0x72: {  	_ =	shalt  }
0x73: {  	_ =	shalt  }
0x74: {  	_ =	shalt  }
0x75: {  	_ =	shalt  }
0x76: {  	_ =	shalt  }
0x77: {  	_ =	shalt  }
0x78: {  	_ =	shalt  }
0x79: {  	_ =	shalt  }
0x7a: {  	_ =	shalt  }
0x7b: {  	_ =	shalt  }
0x7c: {  	_ =	shalt  }
0x7d: {  	_ =	shalt  }
0x7e: {  	_ =	shalt  }
0x7f: {  	_ =	shalt  }
0x80: {  	_ =	shalt  }
0x81: {  	_ =	shalt  }
0x82: {  	_ =	shalt  }
0x83: {  	_ =	shalt  }
0x84: {  	_ =	shalt  }
0x85: {  	_ =	shalt  }
0x86: {  	_ =	shalt  }
0x87: {  	_ =	shalt  }
.Lfunc_end0:
.L_simem_size_0:
called_computation.1_lowered:
.L_overlay_start_0:
0x88: {  	s2 =	sld [smem:$0x3FD9]  }
0x89: {  	s3 =	sld [smem:$0x3FFE];
	_ =	sdelay $0x1  }
0x8a: {  	s1 =	srdreg.scid  }
0x8b: {  	s0 =	sand.u32 $0x1, s1  }
0x8c: {  	s17 =	sshll.u32 s0, $0xA;
	s2 =	sadd.s32 s3, s2  }
0x8d: {  	s2 =	sadd.s32 s2, s17  }
0x8e: {  	[smem:$0x3FC2] =	sst s2  }
0x8f: {  	_ = 	snop  }
0x90: {  	s2 =	sld [smem:$0x3FC8]  }
0x91: {  	s18 =	sld [smem:$0x3FD0];
	(tm) =	ssettm $0x1  }
0x92: {  	s4 =	sld [smem:$0x3FFB];
	_ =	sdelay $0x3  }
0x93: {  	_ =	strace s4  }
0x94: {  	s4 =	sld [smem:$0x3FFC];
	_ =	sdelay $0x3  }
0x95: {  	_ =	strace s4  }
0x96: {  	s4 =	sld [smem:$0x3FFD];
	_ =	sdelay $0x3  }
0x97: {  	_ =	strace s4  }
0x98: {  	_ =	strace $0x8FFFFFFF  }
0x99: {  	s19 =	sld [smem:$0x3FDB];
	_ =	sdelay $0x1  }
0x9a: {  	s5 =	simm.s32 $_scs_section_size  }
0x9b: {  	s6 =	simm.s32 $_size__tile_overlayer_lowered;
	s7 =	simm.s32 $_tile_overlayer_lowered  }
0x9c: {  	s22 =	simm.s32 $0x1BFF;
	s21 =	sshll.u32 s7, $0x1;
	s4 =	sadd.s32 s5, s19  }
0x9d: {  	s8 =	simm.s32 $0x0;
	s20 =	sshll.u32 s6, $0x1;
	s6 =	sadd.s32 s21, s4  }
0x9e: {  	[timem:s8], [sflag:s22] =	dma.local [hbm:s6], s20  }
0x9f: {  	_ =	swait.ge [sflag:s22], s20  }
0xa0: {  	s5 =	ssub.s32 $0x0, s20;
	[sflag:s22] =	ssyncset.done $0x0  }
0xa1: {  	[sflag:s22] =	ssyncadd.s32 s5;
	_ =	sdelay $0x1  }
0xa2: {  	s23 =	simm.s32 $0x1B8B  }
0xa3: {  	_ =	swait.ge [sflag:s23], $0x1  }
0xa4: {  	[sflag:s23] =	ssyncset.done $0x0  }
0xa5: {  	s25 =	simm.s32 $0x1B8E;
	s24 =	sld [smem:$0x3FFE];
	[sflag:s23] =	ssyncadd.s32 $0xFFFFFFFF  }
0xa6: {  	s26 =	simm.s32 $execute0_lowered;
	[smem:$0x3FD2] =	sst s25  }
0xa7: {  	s6 =	sshll.u32 s26, $0x1;
	_ =	strace $0x80000049;
	[dreg:$0x1] =	wrdreg $0xFFFFFFFF  }
0xa8: {  	s28 =	simm.s32 $_size_execute0_lowered;
	s4 =	sadd.s32 s4, s6;
	[dreg:$0x0] =	wrdreg $0x0  }
0xa9: {  	s6 =	sshll.u32 s28, $0x1;
	[dreg:$0x2] =	wrdreg s4  }
0xaa: {  	[dreg:$0x3] =	wrdreg s6  }
0xab: {  	[dreg:$0x4] =	wrdreg $0xC0  }
0xac: {  	_ =	task [dreg:s8], $0x5FFFF  }
0xad: {  	[dreg:$0x1] =	wrdreg $0xFFFFFFFF  }
0xae: {  	[dreg:$0x0] =	wrdreg $0x60  }
0xaf: {  	[dreg:$0x2] =	wrdreg s18  }
0xb0: {  	[dreg:$0x3] =	wrdreg s2  }
0xb1: {  	[dreg:$0x4] =	wrdreg s24  }
0xb2: {  	[dreg:$0x5] =	wrdreg $0x82000  }
0xb3: {  	[dreg:$0x6] =	wrdreg $0x9  }
0xb4: {  	_ =	task.clear_ibuf [dreg:s8], $0x7FFFF;
	_ =	strace $0x90000049  }
0xb5: {  	s29 =	simm.s32 $0x9;
	_ =	strace $0x8000004B  }
0xb6: {  	_ =	swait.ge [sflag:s29], $0x1  }
0xb7: {  	[sflag:s29] =	ssyncadd.s32 $0xFFFFFFFF  }
0xb8: {  	_ =	strace $0x9000004B  }
0xb9: {  	_ =	sfence  }
0xba: {  	s30 =	sld [smem:$0x0];
	_ =	sdelay $0x2  }
0xbb: {  	s31 =	sshll.u32 s1, $0xD;
	s1 =	sshrl.u32 s1, $0x2  }
0xbc: {  	s3 =	sand.u32 $0x4000, s31;
	s1 =	sadd.s32 s1, s30  }
0xbd: {  	s0 =	sor.u32 s3, s0;
	s1 =	sshll.u32 s1, $0x11  }
0xbe: {  	s0 =	sor.u32 s1, s0  }
0xbf: {  	s0 =	sadd.s32 $0x8F2B, s0  }
0xc0: {  	[sflag:s0] =	ssyncadd.remote.s32 $0x1  }
0xc1: {  	_ =	sfence.sel $0xFFFF  }
0xc2: {  	[dreg:$0x0] =	wrdreg $0xFFFFFFFF;
	(pc) =	sbr.abs _section_cstart, $3  }
0xc3: {  	[dreg:$0x1] =	wrdreg $0xFFFFFFFF  }
0xc4: {  	_ =	task.clear_ibuf [dreg:s8], $0x2FFFF;
	_ =	strace $0x9FFFFFFF  }
0xc5: {  	(tm) =	ssettm $0x7FFFFFFF  }
tec
execute0_lowered:
.L_overlay_start_1:
0x0: {  	(tag) =	ssettag $0x1  }
0x1: {  	s1 =	rddreg [dreg:$0x0]  }
0x2: {  	s0 =	rddreg [dreg:$0x1]  }
0x3: {  	s3 =	rddreg [dreg:$0x2]  }
0x4: {  	s2 =	rddreg [dreg:$0x3];
	s4 =	simm.s32 $0x0;
	s5 =	srdreg.scid  }
0x5: {  	s20 =	stileid.u32;
	s28 =	simm.s32 $0x1;
	s29 =	simm.s32 $0x3  }
0x6: {  	s30 =	simm.s32 $0x2;
	s31 =	simm.s32 $0x180;
	[smem:$0x7FF] =	sst s4  }
0x7: {  	s7 =	sand.u32 $0x1, s5;
	s5 =	sadd.s32 $0x2400, s3;
	s8 =	smul.u32 $0x4E000, s20  }
0x8: {  	s3 =	sadd.s32 $0x52E00, s3;
	s19 =	sadd.s32 $0x124800, s2;
	s15 =	sshll.u32 s20, $0x5  }
0x9: {  	s16 =	smul.u32 $0x2700, s20;
	s25 =	sshll.u32 s20, $0x8;
	p0 =	seq.s32 s20, $0xF  }
0xa: {  	s18 =	sshll.u32 s20, $0x7;
	_ =	strace $0x8000004A;
	s22 =	smul.u32 $0x138800, s7  }
0xb: {  	s6 =	ssub.s32 $0x2, s7;
	s10 =	sshll.u32 s7, $0x4;
	s12 =	smul.u32 $0x27100, s7  }
0xc: {  	s15 =	sadd.s32 s15, s0;
	s24 =	sshll.u32 s7, $0xC;
	s7 =	sshll.u32 s7, $0xB  }
0xd: {  	[dreg:$0x5] =	wrdreg s19;
	s19 =	sshrl.u32 @p0 s19, $0x3;
	s9 =	sshrl.u32 s6, $0x1  }
0xe: {  	s10 =	sor.u32 s20, s10;
	s21 =	sshrl.u32 s8, $0x2;
	s23 =	sadd.s32 $0x13800, s15  }
0xf: {  	s26 =	sor.u32 s18, s7;
	s13 =	ssub.s32 s6, s9;
	s6 =	sadd.s32 s21, s2  }
0x10: {  	s14 =	sshll.u32 s10, $0x5;
	s11 =	sshrl.u32 s22, $0x3;
	s9 =	sadd.s32 $0x400, s0  }
0x11: {  	[dreg:$0x7] =	wrdreg s23;
	s12 =	sadd.s32 s16, s12;
	s18 =	sor.u32 $0x2000, s26  }
0x12: {  	s22 =	simm.s32 $0x5;
	s23 =	simm.s32 $0x80;
	p1 =	sgt.u32 s10, $0x3  }
0x13: {  	s26 =	simm.s32 $0x4200;
	s10 =	simm.s32 $0x0;
	s8 =	sadd.s32 s0, s14  }
0x14: {  	s11 =	sadd.s32 s3, s11;
	s3 =	sadd.s32 s3, s12;
	s13 =	smax.u32 s13, $0x1  }
0x15: {  	s14 =	sadd.s32 s14, s9;
	s12 =	smov.u32 s6;
	s21 =	sshrl.u32 @!p0 s6, $0x3  }
.Ltmp0:
0x16: {  	[dreg:$0x8] =	wrdreg s3;
	s3 =	sor.u32 s25, s24;
	(pc) =	sbr.rel .LBB2_1-.Ltmp0, $4  }
0x17: {  	s11 =	sadd.s32 $0x24900, s11;
	s15 =	sadd.s32 $0x800, s8;
	s3 =	sor.u32 $0x8000, s3  }
0x18: {  	s16 =	sadd.s32 $0x13000, s14;
	s24 =	simm.s32 $0x200;
	s3 =	sshrl.u32 s3, $0x3  }
0x19: {  	s25 =	simm.s32 $0x100;
	s17 =	sadd.s32 s3, s0;
	s0 =	sshll.u32 @!p0 s20, $0x6  }
0x1a: {  	[dreg:$0x6] =	wrdreg s11;
	s20 =	sor.u32 @!p0 $0x1C05, s0;
	s0 =	simm.s32 $0x4  }
.LBB2_7:
0x1b: {  	s3 =	rddreg [dreg:$0x5]  }
0x1c: {  	s6 =	rddreg [dreg:$0x6];
	s7 =	simm.s32 $0x1FC5;
	s3 =	sshrl.u32 s3, $0x3  }
0x1d: {  	[hbm:s6], [sflag:s7] =	dma.local [spmem:s3], $0x2800  }
0x1e: {  	_ =	swait.ge [sflag:s22], $0x2800  }
0x1f: {  	[sflag:s22] =	ssyncset.done $0x0  }
0x20: {  	[sflag:s22] =	ssyncadd.s32 $0xFFFFD800  }
.LBB2_8:
0x21: {  	s10 =	sadd.s32 $0x1, s10  }
0x22: {  	p2 =	sne.s32 s10, s13  }
.Ltmp1:
0x23: {  	_ = 	snop;
	(pc) =	sbr.rel @!p2 .LBB2_9-.Ltmp1, $1  }
0x24: {  	_ =	sdelay $0x3  }
.LBB2_1:
0x25: {  	s3 =	simm.s32 @p0 $0x1FC5  }
0x26: {  	[spmem:s19], [sflag:s3] =	dma.local @p0 [hbm:s5], $0x2800  }
0x27: {  	s3 =	simm.s32 @p0 $0x5  }
0x28: {  	_ =	swait.ge @p0 [sflag:s3], $0x2800  }
0x29: {  	[sflag:s3] =	ssyncset.done @p0 $0x0  }
0x2a: {  	[sflag:s3] =	ssyncadd.s32 @p0 $0xFFFFD800;
	s3 =	simm.s32 @!p0 $0x5  }
0x2b: {  	[spmem:s21], [sflag:s20] =	dma.local @!p0 [hbm:s5], $0x2700  }
0x2c: {  	_ =	swait.ge @!p0 [sflag:s3], $0x2700  }
0x2d: {  	[sflag:s3] =	ssyncset.done @!p0 $0x0  }
0x2e: {  	[sflag:s3] =	ssyncadd.s32 @!p0 $0xFFFFD900  }
0x2f: {  	[bflag:$0x0] =	sbarrier.arrive $0xFFFF  }
0x30: {  	[tilespmem:s4], [sflag:$0x5] =	stream.linear.gather [hbm4b:s8+s4], $0x100, $0x38;
	[tilespmem:$0x1BA80] =	vst v63  }
0x31: {  	_ =	swait.ge [sflag:s22], $0x100  }
0x32: {  	[sflag:s22] =	ssyncset.done $0x0  }
0x33: {  	[sflag:s22] =	ssyncadd.s32 $0xFFFFFF00  }
0x34: {  	[tilespmem:s24], [sflag:$0x1] =	stream.indirect.gather [hbm4b:s1+s23], $0x80, s4, s23, $0xb8;
	[tilespmem:$0x1BA80] =	vst v63  }
0x35: {  	_ = 	snop  }
0x36: {  	[tilespmem:s25], [sflag:$0x5] =	stream.linear.gather [hbm4b:s14+s4], $0x100, $0x38;
	[tilespmem:$0x1BA80] =	vst v63  }
0x37: {  	_ =	swait.ge [sflag:s22], $0x100  }
0x38: {  	[sflag:s22] =	ssyncset.done $0x0  }
0x39: {  	[sflag:s22] =	ssyncadd.s32 $0xFFFFFF00  }
0x3a: {  	[tilespmem:s26], [sflag:$0x2] =	stream.indirect.gather [hbm4b:s1+s23], $0x80, s25, s23, $0xb8;
	[tilespmem:$0x1BA80] =	vst v63  }
0x3b: {  	_ =	swait.ge [sflag:s28], $0x4000  }
0x3c: {  	[sflag:s28] =	ssyncset.done $0x0  }
0x3d: {  	[sflag:s28] =	ssyncadd.s32 $0xFFFFC000  }
0x3e: {  	[spmem:s2] =	stream.indirect.scatter.add.f32 [tilespmem:s24], [sflag:$0x3], $0x80, s23, s23, $0xb8;
	[tilespmem:$0x1BA80] =	vst v63  }
0x3f: {  	_ =	swait.ge [sflag:s29], $0x4000  }
0x40: {  	[sflag:s29] =	ssyncset.done $0x0  }
0x41: {  	[sflag:s29] =	ssyncadd.s32 $0xFFFFC000  }
0x42: {  	[tilespmem:s4], [sflag:$0x5] =	stream.linear.gather [hbm4b:s15+s4], $0x100, $0x38;
	[tilespmem:$0x1BA80] =	vst v63  }
0x43: {  	_ =	swait.ge [sflag:s22], $0x100  }
0x44: {  	[sflag:s22] =	ssyncset.done $0x0  }
0x45: {  	[sflag:s22] =	ssyncadd.s32 $0xFFFFFF00  }
0x46: {  	[tilespmem:s24], [sflag:$0x1] =	stream.indirect.gather [hbm4b:s1+s23], $0x80, s4, s23, $0xb8;
	[tilespmem:$0x1BA80] =	vst v63  }
0x47: {  	_ =	swait.ge [sflag:s30], $0x4000  }
0x48: {  	[sflag:s30] =	ssyncset.done $0x0  }
0x49: {  	[sflag:s30] =	ssyncadd.s32 $0xFFFFC000  }
0x4a: {  	[spmem:s2] =	stream.indirect.scatter.add.f32 [tilespmem:s26], [sflag:$0x4], $0x80, s31, s23, $0xb8;
	[tilespmem:$0x1BA80] =	vst v63  }
0x4b: {  	_ =	swait.ge [sflag:s0], $0x4000  }
0x4c: {  	s7 =	sshrl.u32 s18, $0x2;
	[sflag:s0] =	ssyncset.done $0x0  }
0x4d: {  	s3 =	sadd.s32 s7, s9;
	[sflag:s0] =	ssyncadd.s32 $0xFFFFC000  }
0x4e: {  	[tilespmem:s25], [sflag:$0x5] =	stream.linear.gather [hbm4b:s3+s4], $0x100, $0x38;
	[tilespmem:$0x1BA80] =	vst v63  }
0x4f: {  	_ =	swait.ge [sflag:s22], $0x100  }
0x50: {  	[sflag:s22] =	ssyncset.done $0x0  }
0x51: {  	[sflag:s22] =	ssyncadd.s32 $0xFFFFFF00  }
0x52: {  	[tilespmem:s26], [sflag:$0x2] =	stream.indirect.gather [hbm4b:s1+s23], $0x80, s25, s23, $0xb8;
	[tilespmem:$0x1BA80] =	vst v63  }
0x53: {  	_ =	swait.ge [sflag:s28], $0x4000  }
0x54: {  	[sflag:s28] =	ssyncset.done $0x0  }
0x55: {  	[sflag:s28] =	ssyncadd.s32 $0xFFFFC000  }
0x56: {  	[spmem:s2] =	stream.indirect.scatter.add.f32 [tilespmem:s24], [sflag:$0x3], $0x80, s23, s23, $0xb8;
	[tilespmem:$0x1BA80] =	vst v63  }
0x57: {  	_ =	swait.ge [sflag:s29], $0x4000  }
0x58: {  	[sflag:s29] =	ssyncset.done $0x0  }
0x59: {  	s11 =	sadd.s32 $0x0, s17;
	[sflag:s29] =	ssyncadd.s32 $0xFFFFC000  }
0x5a: {  	[tilespmem:s4], [sflag:$0x5] =	stream.linear.gather [hbm4b:s11+s4], $0x100, $0x38;
	[tilespmem:$0x1BA80] =	vst v63  }
0x5b: {  	_ =	swait.ge [sflag:s22], $0x100  }
0x5c: {  	[sflag:s22] =	ssyncset.done $0x0  }
0x5d: {  	[sflag:s22] =	ssyncadd.s32 $0xFFFFFF00  }
0x5e: {  	[tilespmem:s24], [sflag:$0x1] =	stream.indirect.gather [hbm4b:s1+s23], $0x80, s4, s23, $0xb8;
	[tilespmem:$0x1BA80] =	vst v63  }
0x5f: {  	_ =	swait.ge [sflag:s30], $0x4000  }
0x60: {  	[sflag:s30] =	ssyncset.done $0x0  }
0x61: {  	s7 =	simm.s32 $0x800;
	s3 =	sadd.s32 $0x2000, s18;
	[sflag:s30] =	ssyncadd.s32 $0xFFFFC000  }
.LBB2_2:
0x62: {  	[spmem:s2] =	stream.indirect.scatter.add.f32 [tilespmem:s26], [sflag:$0x4], $0x80, s31, s23, $0xb8;
	[tilespmem:$0x1BA80] =	vst v63  }
0x63: {  	s11 =	smov.u32 s7  }
0x64: {  	p2 =	sne.s32 s7, $0x12000;
	s7 =	sadd.s32 $0x800, s7;
	_ =	swait.ge [sflag:s0], $0x4000  }
0x65: {  	s6 =	sshrl.u32 s3, $0x2;
	[sflag:s0] =	ssyncset.done $0x0  }
0x66: {  	s6 =	sadd.s32 s6, s9;
	[sflag:s0] =	ssyncadd.s32 $0xFFFFC000  }
0x67: {  	[tilespmem:s25], [sflag:$0x5] =	stream.linear.gather [hbm4b:s6+s4], $0x100, $0x38;
	[tilespmem:$0x1BA80] =	vst v63  }
0x68: {  	_ =	swait.ge [sflag:s22], $0x100  }
0x69: {  	[sflag:s22] =	ssyncset.done $0x0  }
0x6a: {  	[sflag:s22] =	ssyncadd.s32 $0xFFFFFF00  }
0x6b: {  	[tilespmem:s26], [sflag:$0x2] =	stream.indirect.gather [hbm4b:s1+s23], $0x80, s25, s23, $0xb8;
	[tilespmem:$0x1BA80] =	vst v63  }
0x6c: {  	_ =	swait.ge [sflag:s28], $0x4000  }
0x6d: {  	[sflag:s28] =	ssyncset.done $0x0  }
0x6e: {  	[sflag:s28] =	ssyncadd.s32 $0xFFFFC000  }
0x6f: {  	[spmem:s2] =	stream.indirect.scatter.add.f32 [tilespmem:s24], [sflag:$0x3], $0x80, s23, s23, $0xb8;
	[tilespmem:$0x1BA80] =	vst v63  }
0x70: {  	_ =	swait.ge [sflag:s29], $0x4000  }
0x71: {  	[sflag:s29] =	ssyncset.done $0x0  }
0x72: {  	s6 =	sadd.s32 s11, s17;
	[sflag:s29] =	ssyncadd.s32 $0xFFFFC000  }
0x73: {  	[tilespmem:s4], [sflag:$0x5] =	stream.linear.gather [hbm4b:s6+s4], $0x100, $0x38;
	[tilespmem:$0x1BA80] =	vst v63  }
0x74: {  	_ =	swait.ge [sflag:s22], $0x100  }
0x75: {  	[sflag:s22] =	ssyncset.done $0x0  }
.Ltmp2:
0x76: {  	[sflag:s22] =	ssyncadd.s32 $0xFFFFFF00;
	(pc) =	sbr.rel @p2 .LBB2_2-.Ltmp2, $4  }
0x77: {  	[tilespmem:s24], [sflag:$0x1] =	stream.indirect.gather [hbm4b:s1+s23], $0x80, s4, s23, $0xb8;
	[tilespmem:$0x1BA80] =	vst v63  }
0x78: {  	_ =	swait.ge [sflag:s30], $0x4000  }
0x79: {  	[sflag:s30] =	ssyncset.done $0x0  }
0x7a: {  	s3 =	sadd.s32 $0x2000, s3;
	[sflag:s30] =	ssyncadd.s32 $0xFFFFC000  }
0x7b: {  	[spmem:s2] =	stream.indirect.scatter.add.f32 [tilespmem:s26], [sflag:$0x4], $0x80, s31, s23, $0xb8;
	[tilespmem:$0x1BA80] =	vst v63  }
0x7c: {  	_ =	swait.ge [sflag:s0], $0x4000  }
0x7d: {  	[sflag:s0] =	ssyncset.done $0x0  }
0x7e: {  	[sflag:s0] =	ssyncadd.s32 $0xFFFFC000  }
0x7f: {  	[tilespmem:s25], [sflag:$0x5] =	stream.linear.gather [hbm4b:s16+s4], $0x100, $0x38;
	[tilespmem:$0x1BA80] =	vst v63  }
0x80: {  	_ =	swait.ge [sflag:s22], $0x100  }
0x81: {  	[sflag:s22] =	ssyncset.done $0x0  }
0x82: {  	[sflag:s22] =	ssyncadd.s32 $0xFFFFFF00  }
0x83: {  	[tilespmem:s26], [sflag:$0x2] =	stream.indirect.gather [hbm4b:s1+s23], $0x80, s25, s23, $0xb8;
	[tilespmem:$0x1BA80] =	vst v63  }
0x84: {  	_ =	swait.ge [sflag:s28], $0x4000  }
0x85: {  	[sflag:s28] =	ssyncset.done $0x0  }
0x86: {  	[sflag:s28] =	ssyncadd.s32 $0xFFFFC000  }
0x87: {  	[spmem:s2] =	stream.indirect.scatter.add.f32 [tilespmem:s24], [sflag:$0x3], $0x80, s23, s23, $0xb8;
	[tilespmem:$0x1BA80] =	vst v63  }
0x88: {  	_ =	swait.ge [sflag:s30], $0x4000  }
0x89: {  	[sflag:s30] =	ssyncset.done $0x0  }
0x8a: {  	[sflag:s30] =	ssyncadd.s32 $0xFFFFC000  }
0x8b: {  	[spmem:s2] =	stream.indirect.scatter.add.f32 [tilespmem:s26], [sflag:$0x4], $0x80, s31, s23, $0xb8;
	[tilespmem:$0x1BA80] =	vst v63  }
0x8c: {  	_ =	swait.ge [sflag:s29], $0x4000  }
.Ltmp3:
0x8d: {  	[sflag:s29] =	ssyncset.done $0x0;
	(pc) =	sbr.rel @p1 .LBB2_5-.Ltmp3, $4  }
0x8e: {  	[sflag:s29] =	ssyncadd.s32 $0xFFFFC000  }
0x8f: {  	_ =	swait.ge [sflag:s0], $0x4000  }
0x90: {  	[sflag:s0] =	ssyncset.done $0x0  }
0x91: {  	[sflag:s0] =	ssyncadd.s32 $0xFFFFC000  }
0x92: {  	s3 =	rddreg [dreg:$0x7]  }
0x93: {  	[tilespmem:s4], [sflag:$0x5] =	stream.linear.gather [hbm4b:s3+s4], $0x100, $0x38;
	[tilespmem:$0x1BA80] =	vst v63  }
0x94: {  	_ =	swait.ge [sflag:s22], $0x100  }
0x95: {  	[sflag:s22] =	ssyncset.done $0x0  }
0x96: {  	[sflag:s22] =	ssyncadd.s32 $0xFFFFFF00  }
0x97: {  	[tilespmem:s24], [sflag:$0x1] =	stream.indirect.gather [hbm4b:s1+s23], $0x80, s4, s23, $0xb8;
	[tilespmem:$0x1BA80] =	vst v63  }
0x98: {  	_ =	swait.ge [sflag:s28], $0x4000  }
0x99: {  	[sflag:s28] =	ssyncset.done $0x0  }
0x9a: {  	[sflag:s28] =	ssyncadd.s32 $0xFFFFC000  }
0x9b: {  	[spmem:s2] =	stream.indirect.scatter.add.f32 [tilespmem:s24], [sflag:$0x5], $0x80, s23, s23, $0xb8;
	[tilespmem:$0x1BA80] =	vst v63  }
.Ltmp4:
0x9c: {  	_ =	swait.ge [sflag:s22], $0x4000;
	(pc) =	sbr.rel .LBB2_6-.Ltmp4, $3  }
0x9d: {  	[sflag:s22] =	ssyncset.done $0x0  }
0x9e: {  	[sflag:s22] =	ssyncadd.s32 $0xFFFFC000  }
0x9f: {  	[bflag:$0x0] =	sbarrier.arrive $0xFFFF;
	_ =	sdelay $0x1  }
.LBB2_5:
.Ltmp5:
0xa0: {  	(pc) =	sbr.rel @p0 .LBB2_7-.Ltmp5, $2  }
0xa1: {  	_ =	sdelay $0x1  }
0xa2: {  	[bflag:$0x0] =	sbarrier.arrive $0xFFFF;
	_ =	sdelay $0x1  }
.LBB2_6:
0xa3: {  	s3 =	stileid.u32  }
0xa4: {  	s6 =	sshrl.u32 s12, $0x3;
	s3 =	sshll.u32 s3, $0x6  }
.Ltmp6:
0xa5: {  	s7 =	rddreg [dreg:$0x8];
	s3 =	sor.u32 $0x1C05, s3;
	(pc) =	sbr.rel .LBB2_8-.Ltmp6, $4  }
0xa6: {  	[hbm:s7], [sflag:s3] =	dma.local [spmem:s6], $0x2700  }
0xa7: {  	_ =	swait.ge [sflag:s22], $0x2700  }
0xa8: {  	[sflag:s22] =	ssyncset.done $0x0  }
0xa9: {  	[sflag:s22] =	ssyncadd.s32 $0xFFFFD900  }
.LBB2_9:
0xaa: {  	_ =	sfence.sel $0x180000  }
0xab: {  	[bflag:$0x0] =	sbarrier.arrive $0xFFFF  }
0xac: {  	_ =	strace $0x9000004A  }
0xad: {  	s0 =	stileid.u32;
	[bflag:$0x2] =	sbarrier.arrive $0xFFFF  }
0xae: {  	p0 =	sne.s32 s0, $0x0;
	s0 =	rddreg [dreg:$0x4]  }
0xaf: {  	s0 =	sadd.s32 @!p0 $0x100000, s0  }
0xb0: {  	[sflag:s0] =	ssyncadd.tile.s32 @!p0 $0x1;
	_ =	shalt  }
.Lfunc_end2:
_tile_overlayer_lowered:
.L_overlay_start_2:
0xb1: {  	(tag) =	ssettag $0x2  }
0xb2: {  	s0 =	rddreg [dreg:$0x0];
	s2 =	stileid.u32  }
0xb3: {  	s1 =	rddreg [dreg:$0x1];
	p0 =	sne.s32 s2, $0x0  }
0xb4: {  	s3 =	rddreg [dreg:$0x2];
	[bflag:$0x3] =	sbarrier.arrive $0xFFFF;
	s2 =	simm.s32 @!p0 $0x1C05  }
0xb5: {  	[timem:s3], [sflag:s2] =	dma.local @!p0 [hbm:s0], s1  }
0xb6: {  	s0 =	simm.s32 @!p0 $0x5  }
0xb7: {  	_ =	swait.ge @!p0 [sflag:s0], s1  }
0xb8: {  	s1 =	ssub.s32 @!p0 $0x0, s1;
	[sflag:s0] =	ssyncset.done @!p0 $0x0  }
0xb9: {  	[sflag:s0] =	ssyncadd.s32 @!p0 s1  }
0xba: {  	[bflag:$0x3] =	sbarrier.arrive $0xFFFF  }
0xbb: {  	_ =	shalt  }

// kernel: kernel.14.cloned.1.call-start
scs
__scs_entry_jumppad:
0x0: {  	(pc) =	sbr.rel $0x88, $3  }
0x1: {  	(tag) =	ssettag $0x0;
	lr =	simm.s32 $0x1  }
0x2: {  	[smem:$0x3F9B] =	sst lr;
	_ =	strace $0xD0000000  }
0x3: {  	_ = 	snop  }
0x4: {  	_ = 	snop  }
0x5: {  	_ = 	snop  }
0x6: {  	_ = 	snop  }
0x7: {  	_ = 	snop  }
__scs_overlays_trampoline_lowered:
0x8: {  	[smem:$0x3FAA] =	sst s0  }
0x9: {  	[smem:$0x3FAB] =	sst s1  }
0xa: {  	[smem:$0x3FAC] =	sst s2  }
0xb: {  	[smem:$0x3FAD] =	sst s3  }
0xc: {  	[smem:$0x3FAE] =	sst s4  }
0xd: {  	[smem:$0x3FAF] =	sst s5  }
0xe: {  	[smem:$0x3FB0] =	sst s6  }
0xf: {  	[smem:$0x3FB1] =	sst s7  }
0x10: {  	[smem:$0x3FB2] =	sst s8  }
0x11: {  	[smem:$0x3FB3] =	sst s9;
	s0 =	simm.s32 @!p0 $0x0  }
0x12: {  	s1 =	sld [smem:$0x3F99];
	s0 =	simm.s32 @p0 $0x1  }
0x13: {  	[smem:$0x3FB4] =	sst s0;
	s0 =	simm.s32 @!p1 $0x0  }
0x14: {  	s2 =	sld [smem:$0x3F98];
	s0 =	simm.s32 @p1 $0x1  }
0x15: {  	[smem:$0x3FB5] =	sst s0;
	s0 =	simm.s32 @!p2 $0x0  }
0x16: {  	s3 =	sld [smem:$0x3FDB];
	s0 =	simm.s32 @p2 $0x1  }
0x17: {  	s4 =	simm.s32 $0x1BF5;
	[smem:$0x3FB7] =	sst s0  }
0x18: {  	s0 =	sld [smem:$0x3F9A];
	_ =	swait.ge [sflag:s4], $0x0  }
0x19: {  	s7 =	sld [smem:$0x3F9B]  }
0x1a: {  	s8 =	sadd.s32 $0xFFFFE003, lr  }
0x1b: {  	s9 =	sadd.s32 $0xFFFFFEF7, lr;
	s5 =	simm.s32 $0xFFFFFFFF;
	p2 =	slt.u32 s8, $0xFFFFF086  }
0x1c: {  	p1 =	slt.u32 s9, $0xF7A;
	s5 =	simm.s32 @!p2 $0x0  }
0x1d: {  	s5 =	simm.s32 @p1 $0x1;
	p0 =	seq.s32 s7, s2  }
0x1e: {  	s7 =	smul.u32 @!p0 $0xF7A, s2;
	p2 =	seq.s32 @!p0 s5, $0x0  }
0x1f: {  	s9 =	smul.u32 $0xF7A, s1;
	s8 =	simm.s32 @!p0 $0x1BF5;
	p2 =	por !p2, p0  }
0x20: {  	[sflag:s8] =	ssyncset.s32 @!p0 $0xFFFFF086;
	s6 =	sadd.s32 @!p0 s3, s7;
	s7 =	simm.s32 @!p0 $0x108  }
0x21: {  	s3 =	sadd.s32 s3, s9;
	s6 =	sadd.s32 @!p0 $0x88, s6;
	s7 =	simm.s32 @p2 $0x1082  }
0x22: {  	[simem:s7], [sflag:s8] =	dma.local @!p0 [hbm:s6], $0xF7A  }
0x23: {  	s9 =	sor.u32 $0xD0000000, s2;
	s6 =	simm.s32 $0x108;
	_ =	swait.ge @!p0 [sflag:s8], $0x0  }
0x24: {  	s3 =	sadd.s32 $0x88, s3;
	s6 =	simm.s32 @!p1 $0x1082;
	[sflag:s4] =	ssyncset.s32 $0xFFFFF086  }
0x25: {  	[simem:s6], [sflag:s4] =	dma.local [hbm:s3], $0xF7A  }
0x26: {  	[smem:$0x3F9B] =	sst s1;
	(tag) =	ssettag s2;
	_ =	strace s9  }
0x27: {  	s1 =	sld [smem:$0x3FAB]  }
0x28: {  	s2 =	sld [smem:$0x3FAC]  }
0x29: {  	s4 =	sld [smem:$0x3FAE]  }
0x2a: {  	p0 =	seq.s32 s5, $0x0;
	s5 =	sld [smem:$0x3FAF]  }
0x2b: {  	s6 =	sld [smem:$0x3FB0]  }
0x2c: {  	s7 =	sld [smem:$0x3FB1]  }
0x2d: {  	s3 =	simm.s32 $0x108;
	s8 =	sld [smem:$0x3FB2]  }
0x2e: {  	s3 =	simm.s32 @!p0 $0x1082;
	s9 =	sld [smem:$0x3FB3]  }
0x2f: {  	lr =	sadd.s32 s0, s3;
	s0 =	sld [smem:$0x3FAA]  }
0x30: {  	s3 =	sld [smem:$0x3FAD]  }
0x31: {  	[smem:$0x3FB6] =	sst s10  }
0x32: {  	s10 =	sld [smem:$0x3FB4];
	_ =	sdelay $0x3  }
0x33: {  	p0 =	seq.s32 s10, $0x1;
	s10 =	sld [smem:$0x3FB6];
	_ =	sdelay $0x3  }
0x34: {  	[smem:$0x3FB6] =	sst s10  }
0x35: {  	s10 =	sld [smem:$0x3FB5];
	_ =	sdelay $0x3  }
0x36: {  	p1 =	seq.s32 s10, $0x1;
	s10 =	sld [smem:$0x3FB6];
	_ =	sdelay $0x3  }
0x37: {  	[smem:$0x3FB6] =	sst s10  }
0x38: {  	s10 =	sld [smem:$0x3FB7]  }
0x39: {  	_ = 	snop;
	(pc) =	sbr.ind lr, $3  }
0x3a: {  	_ = 	snop  }
0x3b: {  	_ = 	snop  }
0x3c: {  	p2 =	seq.s32 s10, $0x1;
	s10 =	sld [smem:$0x3FB6]  }
0x3d: {  	_ =	shalt  }
0x3e: {  	_ =	shalt  }
0x3f: {  	_ =	shalt  }
0x40: {  	_ =	shalt  }
0x41: {  	_ =	shalt  }
0x42: {  	_ =	shalt  }
0x43: {  	_ =	shalt  }
0x44: {  	_ =	shalt  }
0x45: {  	_ =	shalt  }
0x46: {  	_ =	shalt  }
0x47: {  	_ =	shalt  }
0x48: {  	_ =	shalt  }
0x49: {  	_ =	shalt  }
0x4a: {  	_ =	shalt  }
0x4b: {  	_ =	shalt  }
0x4c: {  	_ =	shalt  }
0x4d: {  	_ =	shalt  }
0x4e: {  	_ =	shalt  }
0x4f: {  	_ =	shalt  }
0x50: {  	_ =	shalt  }
0x51: {  	_ =	shalt  }
0x52: {  	_ =	shalt  }
0x53: {  	_ =	shalt  }
0x54: {  	_ =	shalt  }
0x55: {  	_ =	shalt  }
0x56: {  	_ =	shalt  }
0x57: {  	_ =	shalt  }
0x58: {  	_ =	shalt  }
0x59: {  	_ =	shalt  }
0x5a: {  	_ =	shalt  }
0x5b: {  	_ =	shalt  }
0x5c: {  	_ =	shalt  }
0x5d: {  	_ =	shalt  }
0x5e: {  	_ =	shalt  }
0x5f: {  	_ =	shalt  }
0x60: {  	_ =	shalt  }
0x61: {  	_ =	shalt  }
0x62: {  	_ =	shalt  }
0x63: {  	_ =	shalt  }
0x64: {  	_ =	shalt  }
0x65: {  	_ =	shalt  }
0x66: {  	_ =	shalt  }
0x67: {  	_ =	shalt  }
0x68: {  	_ =	shalt  }
0x69: {  	_ =	shalt  }
0x6a: {  	_ =	shalt  }
0x6b: {  	_ =	shalt  }
0x6c: {  	_ =	shalt  }
0x6d: {  	_ =	shalt  }
0x6e: {  	_ =	shalt  }
0x6f: {  	_ =	shalt  }
0x70: {  	_ =	shalt  }
0x71: {  	_ =	shalt  }
0x72: {  	_ =	shalt  }
0x73: {  	_ =	shalt  }
0x74: {  	_ =	shalt  }
0x75: {  	_ =	shalt  }
0x76: {  	_ =	shalt  }
0x77: {  	_ =	shalt  }
0x78: {  	_ =	shalt  }
0x79: {  	_ =	shalt  }
0x7a: {  	_ =	shalt  }
0x7b: {  	_ =	shalt  }
0x7c: {  	_ =	shalt  }
0x7d: {  	_ =	shalt  }
0x7e: {  	_ =	shalt  }
0x7f: {  	_ =	shalt  }
0x80: {  	_ =	shalt  }
0x81: {  	_ =	shalt  }
0x82: {  	_ =	shalt  }
0x83: {  	_ =	shalt  }
0x84: {  	_ =	shalt  }
0x85: {  	_ =	shalt  }
0x86: {  	_ =	shalt  }
0x87: {  	_ =	shalt  }
.Lfunc_end0:
.L_simem_size_0:
called_computation.2_lowered:
.L_overlay_start_0:
0x88: {  	s2 =	sld [smem:$0x3FD9]  }
0x89: {  	s3 =	sld [smem:$0x3FFE];
	_ =	sdelay $0x1  }
0x8a: {  	s1 =	srdreg.scid  }
0x8b: {  	s0 =	sand.u32 $0x1, s1  }
0x8c: {  	s17 =	sshll.u32 s0, $0xA;
	s2 =	sadd.s32 s3, s2  }
0x8d: {  	s2 =	sadd.s32 s2, s17  }
0x8e: {  	[smem:$0x3FC2] =	sst s2  }
0x8f: {  	_ = 	snop  }
0x90: {  	s2 =	sld [smem:$0x3FC8]  }
0x91: {  	s18 =	sld [smem:$0x3FD0];
	(tm) =	ssettm $0x1  }
0x92: {  	s4 =	sld [smem:$0x3FFB];
	_ =	sdelay $0x3  }
0x93: {  	_ =	strace s4  }
0x94: {  	s4 =	sld [smem:$0x3FFC];
	_ =	sdelay $0x3  }
0x95: {  	_ =	strace s4  }
0x96: {  	s4 =	sld [smem:$0x3FFD];
	_ =	sdelay $0x3  }
0x97: {  	_ =	strace s4  }
0x98: {  	_ =	strace $0x8FFFFFFF  }
0x99: {  	s19 =	sld [smem:$0x3FDB];
	_ =	sdelay $0x1  }
0x9a: {  	s5 =	simm.s32 $_scs_section_size  }
0x9b: {  	s6 =	simm.s32 $_size__tile_overlayer_lowered;
	s7 =	simm.s32 $_tile_overlayer_lowered  }
0x9c: {  	s22 =	simm.s32 $0x1BFF;
	s21 =	sshll.u32 s7, $0x1;
	s4 =	sadd.s32 s5, s19  }
0x9d: {  	s8 =	simm.s32 $0x0;
	s20 =	sshll.u32 s6, $0x1;
	s6 =	sadd.s32 s21, s4  }
0x9e: {  	[timem:s8], [sflag:s22] =	dma.local [hbm:s6], s20  }
0x9f: {  	_ =	swait.ge [sflag:s22], s20  }
0xa0: {  	s5 =	ssub.s32 $0x0, s20;
	[sflag:s22] =	ssyncset.done $0x0  }
0xa1: {  	[sflag:s22] =	ssyncadd.s32 s5;
	_ =	sdelay $0x1  }
0xa2: {  	s23 =	simm.s32 $0x1B8B  }
0xa3: {  	_ =	swait.ge [sflag:s23], $0x1  }
0xa4: {  	[sflag:s23] =	ssyncset.done $0x0  }
0xa5: {  	s25 =	simm.s32 $0x1B8E;
	s24 =	sld [smem:$0x3FFE];
	[sflag:s23] =	ssyncadd.s32 $0xFFFFFFFF  }
0xa6: {  	s26 =	simm.s32 $execute0_lowered;
	[smem:$0x3FD2] =	sst s25  }
0xa7: {  	s6 =	sshll.u32 s26, $0x1;
	_ =	strace $0x8000004C;
	[dreg:$0x1] =	wrdreg $0xFFFFFFFF  }
0xa8: {  	s28 =	simm.s32 $_size_execute0_lowered;
	s4 =	sadd.s32 s4, s6;
	[dreg:$0x0] =	wrdreg $0x0  }
0xa9: {  	s6 =	sshll.u32 s28, $0x1;
	[dreg:$0x2] =	wrdreg s4  }
0xaa: {  	[dreg:$0x3] =	wrdreg s6  }
0xab: {  	[dreg:$0x4] =	wrdreg $0xC0  }
0xac: {  	_ =	task [dreg:s8], $0x5FFFF  }
0xad: {  	[dreg:$0x1] =	wrdreg $0xFFFFFFFF  }
0xae: {  	[dreg:$0x0] =	wrdreg $0x60  }
0xaf: {  	[dreg:$0x2] =	wrdreg s18  }
0xb0: {  	[dreg:$0x3] =	wrdreg s2  }
0xb1: {  	[dreg:$0x4] =	wrdreg s24  }
0xb2: {  	[dreg:$0x5] =	wrdreg $0x82000  }
0xb3: {  	[dreg:$0x6] =	wrdreg $0x9  }
0xb4: {  	_ =	task.clear_ibuf [dreg:s8], $0x7FFFF;
	_ =	strace $0x9000004C  }
0xb5: {  	s29 =	simm.s32 $0x9;
	_ =	strace $0x8000004E  }
0xb6: {  	_ =	swait.ge [sflag:s29], $0x1  }
0xb7: {  	[sflag:s29] =	ssyncadd.s32 $0xFFFFFFFF  }
0xb8: {  	_ =	strace $0x9000004E  }
0xb9: {  	_ =	sfence  }
0xba: {  	s30 =	sld [smem:$0x0];
	_ =	sdelay $0x2  }
0xbb: {  	s31 =	sshll.u32 s1, $0xD;
	s1 =	sshrl.u32 s1, $0x2  }
0xbc: {  	s3 =	sand.u32 $0x4000, s31;
	s1 =	sadd.s32 s1, s30  }
0xbd: {  	s0 =	sor.u32 s3, s0;
	s1 =	sshll.u32 s1, $0x11  }
0xbe: {  	s0 =	sor.u32 s1, s0  }
0xbf: {  	s0 =	sadd.s32 $0x8F2B, s0  }
0xc0: {  	[sflag:s0] =	ssyncadd.remote.s32 $0x1  }
0xc1: {  	_ =	sfence.sel $0xFFFF  }
0xc2: {  	[dreg:$0x0] =	wrdreg $0xFFFFFFFF;
	(pc) =	sbr.abs _section_cstart, $3  }
0xc3: {  	[dreg:$0x1] =	wrdreg $0xFFFFFFFF  }
0xc4: {  	_ =	task.clear_ibuf [dreg:s8], $0x2FFFF;
	_ =	strace $0x9FFFFFFF  }
0xc5: {  	(tm) =	ssettm $0x7FFFFFFF  }
tec
execute0_lowered:
.L_overlay_start_1:
0x0: {  	(tag) =	ssettag $0x1  }
0x1: {  	s1 =	rddreg [dreg:$0x0]  }
0x2: {  	s0 =	rddreg [dreg:$0x1]  }
0x3: {  	s3 =	rddreg [dreg:$0x2]  }
0x4: {  	s2 =	rddreg [dreg:$0x3];
	s4 =	simm.s32 $0x0;
	s5 =	srdreg.scid  }
0x5: {  	s20 =	stileid.u32;
	s28 =	simm.s32 $0x1;
	s29 =	simm.s32 $0x3  }
0x6: {  	s30 =	simm.s32 $0x2;
	s31 =	simm.s32 $0x180;
	[smem:$0x7FF] =	sst s4  }
0x7: {  	s7 =	sand.u32 $0x1, s5;
	s5 =	sadd.s32 $0x2400, s3;
	s8 =	smul.u32 $0x4E000, s20  }
0x8: {  	s3 =	sadd.s32 $0x52E00, s3;
	s19 =	sadd.s32 $0x124800, s2;
	s15 =	sshll.u32 s20, $0x5  }
0x9: {  	s16 =	smul.u32 $0x2700, s20;
	s25 =	sshll.u32 s20, $0x8;
	p0 =	seq.s32 s20, $0xF  }
0xa: {  	s18 =	sshll.u32 s20, $0x7;
	_ =	strace $0x8000004D;
	s22 =	smul.u32 $0x138800, s7  }
0xb: {  	s6 =	ssub.s32 $0x2, s7;
	s10 =	sshll.u32 s7, $0x4;
	s12 =	smul.u32 $0x27100, s7  }
0xc: {  	s15 =	sadd.s32 s15, s0;
	s24 =	sshll.u32 s7, $0xC;
	s7 =	sshll.u32 s7, $0xB  }
0xd: {  	[dreg:$0x5] =	wrdreg s19;
	s19 =	sshrl.u32 @p0 s19, $0x3;
	s9 =	sshrl.u32 s6, $0x1  }
0xe: {  	s10 =	sor.u32 s20, s10;
	s21 =	sshrl.u32 s8, $0x2;
	s23 =	sadd.s32 $0x13800, s15  }
0xf: {  	s26 =	sor.u32 s18, s7;
	s13 =	ssub.s32 s6, s9;
	s6 =	sadd.s32 s21, s2  }
0x10: {  	s14 =	sshll.u32 s10, $0x5;
	s11 =	sshrl.u32 s22, $0x3;
	s9 =	sadd.s32 $0x400, s0  }
0x11: {  	[dreg:$0x7] =	wrdreg s23;
	s12 =	sadd.s32 s16, s12;
	s18 =	sor.u32 $0x2000, s26  }
0x12: {  	s22 =	simm.s32 $0x5;
	s23 =	simm.s32 $0x80;
	p1 =	sgt.u32 s10, $0x3  }
0x13: {  	s26 =	simm.s32 $0x4200;
	s10 =	simm.s32 $0x0;
	s8 =	sadd.s32 s0, s14  }
0x14: {  	s11 =	sadd.s32 s3, s11;
	s3 =	sadd.s32 s3, s12;
	s13 =	smax.u32 s13, $0x1  }
0x15: {  	s14 =	sadd.s32 s14, s9;
	s12 =	smov.u32 s6;
	s21 =	sshrl.u32 @!p0 s6, $0x3  }
.Ltmp0:
0x16: {  	[dreg:$0x8] =	wrdreg s3;
	s3 =	sor.u32 s25, s24;
	(pc) =	sbr.rel .LBB2_1-.Ltmp0, $4  }
0x17: {  	s11 =	sadd.s32 $0x24900, s11;
	s15 =	sadd.s32 $0x800, s8;
	s3 =	sor.u32 $0x8000, s3  }
0x18: {  	s16 =	sadd.s32 $0x13000, s14;
	s24 =	simm.s32 $0x200;
	s3 =	sshrl.u32 s3, $0x3  }
0x19: {  	s25 =	simm.s32 $0x100;
	s17 =	sadd.s32 s3, s0;
	s0 =	sshll.u32 @!p0 s20, $0x6  }
0x1a: {  	[dreg:$0x6] =	wrdreg s11;
	s20 =	sor.u32 @!p0 $0x1C05, s0;
	s0 =	simm.s32 $0x4  }
.LBB2_7:
0x1b: {  	s3 =	rddreg [dreg:$0x5]  }
0x1c: {  	s6 =	rddreg [dreg:$0x6];
	s7 =	simm.s32 $0x1FC5;
	s3 =	sshrl.u32 s3, $0x3  }
0x1d: {  	[hbm:s6], [sflag:s7] =	dma.local [spmem:s3], $0x2800  }
0x1e: {  	_ =	swait.ge [sflag:s22], $0x2800  }
0x1f: {  	[sflag:s22] =	ssyncset.done $0x0  }
0x20: {  	[sflag:s22] =	ssyncadd.s32 $0xFFFFD800  }
.LBB2_8:
0x21: {  	s10 =	sadd.s32 $0x1, s10  }
0x22: {  	p2 =	sne.s32 s10, s13  }
.Ltmp1:
0x23: {  	_ = 	snop;
	(pc) =	sbr.rel @!p2 .LBB2_9-.Ltmp1, $1  }
0x24: {  	_ =	sdelay $0x3  }
.LBB2_1:
0x25: {  	s3 =	simm.s32 @p0 $0x1FC5  }
0x26: {  	[spmem:s19], [sflag:s3] =	dma.local @p0 [hbm:s5], $0x2800  }
0x27: {  	s3 =	simm.s32 @p0 $0x5  }
0x28: {  	_ =	swait.ge @p0 [sflag:s3], $0x2800  }
0x29: {  	[sflag:s3] =	ssyncset.done @p0 $0x0  }
0x2a: {  	[sflag:s3] =	ssyncadd.s32 @p0 $0xFFFFD800;
	s3 =	simm.s32 @!p0 $0x5  }
0x2b: {  	[spmem:s21], [sflag:s20] =	dma.local @!p0 [hbm:s5], $0x2700  }
0x2c: {  	_ =	swait.ge @!p0 [sflag:s3], $0x2700  }
0x2d: {  	[sflag:s3] =	ssyncset.done @!p0 $0x0  }
0x2e: {  	[sflag:s3] =	ssyncadd.s32 @!p0 $0xFFFFD900  }
0x2f: {  	[bflag:$0x0] =	sbarrier.arrive $0xFFFF  }
0x30: {  	[tilespmem:s4], [sflag:$0x5] =	stream.linear.gather [hbm4b:s8+s4], $0x100, $0x38;
	[tilespmem:$0x1BA80] =	vst v63  }
0x31: {  	_ =	swait.ge [sflag:s22], $0x100  }
0x32: {  	[sflag:s22] =	ssyncset.done $0x0  }
0x33: {  	[sflag:s22] =	ssyncadd.s32 $0xFFFFFF00  }
0x34: {  	[tilespmem:s24], [sflag:$0x1] =	stream.indirect.gather [hbm4b:s1+s23], $0x80, s4, s23, $0xb8;
	[tilespmem:$0x1BA80] =	vst v63  }
0x35: {  	_ = 	snop  }
0x36: {  	[tilespmem:s25], [sflag:$0x5] =	stream.linear.gather [hbm4b:s14+s4], $0x100, $0x38;
	[tilespmem:$0x1BA80] =	vst v63  }
0x37: {  	_ =	swait.ge [sflag:s22], $0x100  }
0x38: {  	[sflag:s22] =	ssyncset.done $0x0  }
0x39: {  	[sflag:s22] =	ssyncadd.s32 $0xFFFFFF00  }
0x3a: {  	[tilespmem:s26], [sflag:$0x2] =	stream.indirect.gather [hbm4b:s1+s23], $0x80, s25, s23, $0xb8;
	[tilespmem:$0x1BA80] =	vst v63  }
0x3b: {  	_ =	swait.ge [sflag:s28], $0x4000  }
0x3c: {  	[sflag:s28] =	ssyncset.done $0x0  }
0x3d: {  	[sflag:s28] =	ssyncadd.s32 $0xFFFFC000  }
0x3e: {  	[spmem:s2] =	stream.indirect.scatter.add.f32 [tilespmem:s24], [sflag:$0x3], $0x80, s23, s23, $0xb8;
	[tilespmem:$0x1BA80] =	vst v63  }
0x3f: {  	_ =	swait.ge [sflag:s29], $0x4000  }
0x40: {  	[sflag:s29] =	ssyncset.done $0x0  }
0x41: {  	[sflag:s29] =	ssyncadd.s32 $0xFFFFC000  }
0x42: {  	[tilespmem:s4], [sflag:$0x5] =	stream.linear.gather [hbm4b:s15+s4], $0x100, $0x38;
	[tilespmem:$0x1BA80] =	vst v63  }
0x43: {  	_ =	swait.ge [sflag:s22], $0x100  }
0x44: {  	[sflag:s22] =	ssyncset.done $0x0  }
0x45: {  	[sflag:s22] =	ssyncadd.s32 $0xFFFFFF00  }
0x46: {  	[tilespmem:s24], [sflag:$0x1] =	stream.indirect.gather [hbm4b:s1+s23], $0x80, s4, s23, $0xb8;
	[tilespmem:$0x1BA80] =	vst v63  }
0x47: {  	_ =	swait.ge [sflag:s30], $0x4000  }
0x48: {  	[sflag:s30] =	ssyncset.done $0x0  }
0x49: {  	[sflag:s30] =	ssyncadd.s32 $0xFFFFC000  }
0x4a: {  	[spmem:s2] =	stream.indirect.scatter.add.f32 [tilespmem:s26], [sflag:$0x4], $0x80, s31, s23, $0xb8;
	[tilespmem:$0x1BA80] =	vst v63  }
0x4b: {  	_ =	swait.ge [sflag:s0], $0x4000  }
0x4c: {  	s7 =	sshrl.u32 s18, $0x2;
	[sflag:s0] =	ssyncset.done $0x0  }
0x4d: {  	s3 =	sadd.s32 s7, s9;
	[sflag:s0] =	ssyncadd.s32 $0xFFFFC000  }
0x4e: {  	[tilespmem:s25], [sflag:$0x5] =	stream.linear.gather [hbm4b:s3+s4], $0x100, $0x38;
	[tilespmem:$0x1BA80] =	vst v63  }
0x4f: {  	_ =	swait.ge [sflag:s22], $0x100  }
0x50: {  	[sflag:s22] =	ssyncset.done $0x0  }
0x51: {  	[sflag:s22] =	ssyncadd.s32 $0xFFFFFF00  }
0x52: {  	[tilespmem:s26], [sflag:$0x2] =	stream.indirect.gather [hbm4b:s1+s23], $0x80, s25, s23, $0xb8;
	[tilespmem:$0x1BA80] =	vst v63  }
0x53: {  	_ =	swait.ge [sflag:s28], $0x4000  }
0x54: {  	[sflag:s28] =	ssyncset.done $0x0  }
0x55: {  	[sflag:s28] =	ssyncadd.s32 $0xFFFFC000  }
0x56: {  	[spmem:s2] =	stream.indirect.scatter.add.f32 [tilespmem:s24], [sflag:$0x3], $0x80, s23, s23, $0xb8;
	[tilespmem:$0x1BA80] =	vst v63  }
0x57: {  	_ =	swait.ge [sflag:s29], $0x4000  }
0x58: {  	[sflag:s29] =	ssyncset.done $0x0  }
0x59: {  	s11 =	sadd.s32 $0x0, s17;
	[sflag:s29] =	ssyncadd.s32 $0xFFFFC000  }
0x5a: {  	[tilespmem:s4], [sflag:$0x5] =	stream.linear.gather [hbm4b:s11+s4], $0x100, $0x38;
	[tilespmem:$0x1BA80] =	vst v63  }
0x5b: {  	_ =	swait.ge [sflag:s22], $0x100  }
0x5c: {  	[sflag:s22] =	ssyncset.done $0x0  }
0x5d: {  	[sflag:s22] =	ssyncadd.s32 $0xFFFFFF00  }
0x5e: {  	[tilespmem:s24], [sflag:$0x1] =	stream.indirect.gather [hbm4b:s1+s23], $0x80, s4, s23, $0xb8;
	[tilespmem:$0x1BA80] =	vst v63  }
0x5f: {  	_ =	swait.ge [sflag:s30], $0x4000  }
0x60: {  	[sflag:s30] =	ssyncset.done $0x0  }
0x61: {  	s7 =	simm.s32 $0x800;
	s3 =	sadd.s32 $0x2000, s18;
	[sflag:s30] =	ssyncadd.s32 $0xFFFFC000  }
.LBB2_2:
0x62: {  	[spmem:s2] =	stream.indirect.scatter.add.f32 [tilespmem:s26], [sflag:$0x4], $0x80, s31, s23, $0xb8;
	[tilespmem:$0x1BA80] =	vst v63  }
0x63: {  	s11 =	smov.u32 s7  }
0x64: {  	p2 =	sne.s32 s7, $0x12000;
	s7 =	sadd.s32 $0x800, s7;
	_ =	swait.ge [sflag:s0], $0x4000  }
0x65: {  	s6 =	sshrl.u32 s3, $0x2;
	[sflag:s0] =	ssyncset.done $0x0  }
0x66: {  	s6 =	sadd.s32 s6, s9;
	[sflag:s0] =	ssyncadd.s32 $0xFFFFC000  }
0x67: {  	[tilespmem:s25], [sflag:$0x5] =	stream.linear.gather [hbm4b:s6+s4], $0x100, $0x38;
	[tilespmem:$0x1BA80] =	vst v63  }
0x68: {  	_ =	swait.ge [sflag:s22], $0x100  }
0x69: {  	[sflag:s22] =	ssyncset.done $0x0  }
0x6a: {  	[sflag:s22] =	ssyncadd.s32 $0xFFFFFF00  }
0x6b: {  	[tilespmem:s26], [sflag:$0x2] =	stream.indirect.gather [hbm4b:s1+s23], $0x80, s25, s23, $0xb8;
	[tilespmem:$0x1BA80] =	vst v63  }
0x6c: {  	_ =	swait.ge [sflag:s28], $0x4000  }
0x6d: {  	[sflag:s28] =	ssyncset.done $0x0  }
0x6e: {  	[sflag:s28] =	ssyncadd.s32 $0xFFFFC000  }
0x6f: {  	[spmem:s2] =	stream.indirect.scatter.add.f32 [tilespmem:s24], [sflag:$0x3], $0x80, s23, s23, $0xb8;
	[tilespmem:$0x1BA80] =	vst v63  }
0x70: {  	_ =	swait.ge [sflag:s29], $0x4000  }
0x71: {  	[sflag:s29] =	ssyncset.done $0x0  }
0x72: {  	s6 =	sadd.s32 s11, s17;
	[sflag:s29] =	ssyncadd.s32 $0xFFFFC000  }
0x73: {  	[tilespmem:s4], [sflag:$0x5] =	stream.linear.gather [hbm4b:s6+s4], $0x100, $0x38;
	[tilespmem:$0x1BA80] =	vst v63  }
0x74: {  	_ =	swait.ge [sflag:s22], $0x100  }
0x75: {  	[sflag:s22] =	ssyncset.done $0x0  }
.Ltmp2:
0x76: {  	[sflag:s22] =	ssyncadd.s32 $0xFFFFFF00;
	(pc) =	sbr.rel @p2 .LBB2_2-.Ltmp2, $4  }
0x77: {  	[tilespmem:s24], [sflag:$0x1] =	stream.indirect.gather [hbm4b:s1+s23], $0x80, s4, s23, $0xb8;
	[tilespmem:$0x1BA80] =	vst v63  }
0x78: {  	_ =	swait.ge [sflag:s30], $0x4000  }
0x79: {  	[sflag:s30] =	ssyncset.done $0x0  }
0x7a: {  	s3 =	sadd.s32 $0x2000, s3;
	[sflag:s30] =	ssyncadd.s32 $0xFFFFC000  }
0x7b: {  	[spmem:s2] =	stream.indirect.scatter.add.f32 [tilespmem:s26], [sflag:$0x4], $0x80, s31, s23, $0xb8;
	[tilespmem:$0x1BA80] =	vst v63  }
0x7c: {  	_ =	swait.ge [sflag:s0], $0x4000  }
0x7d: {  	[sflag:s0] =	ssyncset.done $0x0  }
0x7e: {  	[sflag:s0] =	ssyncadd.s32 $0xFFFFC000  }
0x7f: {  	[tilespmem:s25], [sflag:$0x5] =	stream.linear.gather [hbm4b:s16+s4], $0x100, $0x38;
	[tilespmem:$0x1BA80] =	vst v63  }
0x80: {  	_ =	swait.ge [sflag:s22], $0x100  }
0x81: {  	[sflag:s22] =	ssyncset.done $0x0  }
0x82: {  	[sflag:s22] =	ssyncadd.s32 $0xFFFFFF00  }
0x83: {  	[tilespmem:s26], [sflag:$0x2] =	stream.indirect.gather [hbm4b:s1+s23], $0x80, s25, s23, $0xb8;
	[tilespmem:$0x1BA80] =	vst v63  }
0x84: {  	_ =	swait.ge [sflag:s28], $0x4000  }
0x85: {  	[sflag:s28] =	ssyncset.done $0x0  }
0x86: {  	[sflag:s28] =	ssyncadd.s32 $0xFFFFC000  }
0x87: {  	[spmem:s2] =	stream.indirect.scatter.add.f32 [tilespmem:s24], [sflag:$0x3], $0x80, s23, s23, $0xb8;
	[tilespmem:$0x1BA80] =	vst v63  }
0x88: {  	_ =	swait.ge [sflag:s30], $0x4000  }
0x89: {  	[sflag:s30] =	ssyncset.done $0x0  }
0x8a: {  	[sflag:s30] =	ssyncadd.s32 $0xFFFFC000  }
0x8b: {  	[spmem:s2] =	stream.indirect.scatter.add.f32 [tilespmem:s26], [sflag:$0x4], $0x80, s31, s23, $0xb8;
	[tilespmem:$0x1BA80] =	vst v63  }
0x8c: {  	_ =	swait.ge [sflag:s29], $0x4000  }
.Ltmp3:
0x8d: {  	[sflag:s29] =	ssyncset.done $0x0;
	(pc) =	sbr.rel @p1 .LBB2_5-.Ltmp3, $4  }
0x8e: {  	[sflag:s29] =	ssyncadd.s32 $0xFFFFC000  }
0x8f: {  	_ =	swait.ge [sflag:s0], $0x4000  }
0x90: {  	[sflag:s0] =	ssyncset.done $0x0  }
0x91: {  	[sflag:s0] =	ssyncadd.s32 $0xFFFFC000  }
0x92: {  	s3 =	rddreg [dreg:$0x7]  }
0x93: {  	[tilespmem:s4], [sflag:$0x5] =	stream.linear.gather [hbm4b:s3+s4], $0x100, $0x38;
	[tilespmem:$0x1BA80] =	vst v63  }
0x94: {  	_ =	swait.ge [sflag:s22], $0x100  }
0x95: {  	[sflag:s22] =	ssyncset.done $0x0  }
0x96: {  	[sflag:s22] =	ssyncadd.s32 $0xFFFFFF00  }
0x97: {  	[tilespmem:s24], [sflag:$0x1] =	stream.indirect.gather [hbm4b:s1+s23], $0x80, s4, s23, $0xb8;
	[tilespmem:$0x1BA80] =	vst v63  }
0x98: {  	_ =	swait.ge [sflag:s28], $0x4000  }
0x99: {  	[sflag:s28] =	ssyncset.done $0x0  }
0x9a: {  	[sflag:s28] =	ssyncadd.s32 $0xFFFFC000  }
0x9b: {  	[spmem:s2] =	stream.indirect.scatter.add.f32 [tilespmem:s24], [sflag:$0x5], $0x80, s23, s23, $0xb8;
	[tilespmem:$0x1BA80] =	vst v63  }
.Ltmp4:
0x9c: {  	_ =	swait.ge [sflag:s22], $0x4000;
	(pc) =	sbr.rel .LBB2_6-.Ltmp4, $3  }
0x9d: {  	[sflag:s22] =	ssyncset.done $0x0  }
0x9e: {  	[sflag:s22] =	ssyncadd.s32 $0xFFFFC000  }
0x9f: {  	[bflag:$0x0] =	sbarrier.arrive $0xFFFF;
	_ =	sdelay $0x1  }
.LBB2_5:
.Ltmp5:
0xa0: {  	(pc) =	sbr.rel @p0 .LBB2_7-.Ltmp5, $2  }
0xa1: {  	_ =	sdelay $0x1  }
0xa2: {  	[bflag:$0x0] =	sbarrier.arrive $0xFFFF;
	_ =	sdelay $0x1  }
.LBB2_6:
0xa3: {  	s3 =	stileid.u32  }
0xa4: {  	s6 =	sshrl.u32 s12, $0x3;
	s3 =	sshll.u32 s3, $0x6  }
.Ltmp6:
0xa5: {  	s7 =	rddreg [dreg:$0x8];
	s3 =	sor.u32 $0x1C05, s3;
	(pc) =	sbr.rel .LBB2_8-.Ltmp6, $4  }
0xa6: {  	[hbm:s7], [sflag:s3] =	dma.local [spmem:s6], $0x2700  }
0xa7: {  	_ =	swait.ge [sflag:s22], $0x2700  }
0xa8: {  	[sflag:s22] =	ssyncset.done $0x0  }
0xa9: {  	[sflag:s22] =	ssyncadd.s32 $0xFFFFD900  }
.LBB2_9:
0xaa: {  	_ =	sfence.sel $0x180000  }
0xab: {  	[bflag:$0x0] =	sbarrier.arrive $0xFFFF  }
0xac: {  	_ =	strace $0x9000004D  }
0xad: {  	s0 =	stileid.u32;
	[bflag:$0x2] =	sbarrier.arrive $0xFFFF  }
0xae: {  	p0 =	sne.s32 s0, $0x0;
	s0 =	rddreg [dreg:$0x4]  }
0xaf: {  	s0 =	sadd.s32 @!p0 $0x100000, s0  }
0xb0: {  	[sflag:s0] =	ssyncadd.tile.s32 @!p0 $0x1;
	_ =	shalt  }
.Lfunc_end2:
_tile_overlayer_lowered:
.L_overlay_start_2:
0xb1: {  	(tag) =	ssettag $0x2  }
0xb2: {  	s0 =	rddreg [dreg:$0x0];
	s2 =	stileid.u32  }
0xb3: {  	s1 =	rddreg [dreg:$0x1];
	p0 =	sne.s32 s2, $0x0  }
0xb4: {  	s3 =	rddreg [dreg:$0x2];
	[bflag:$0x3] =	sbarrier.arrive $0xFFFF;
	s2 =	simm.s32 @!p0 $0x1C05  }
0xb5: {  	[timem:s3], [sflag:s2] =	dma.local @!p0 [hbm:s0], s1  }
0xb6: {  	s0 =	simm.s32 @!p0 $0x5  }
0xb7: {  	_ =	swait.ge @!p0 [sflag:s0], s1  }
0xb8: {  	s1 =	ssub.s32 @!p0 $0x0, s1;
	[sflag:s0] =	ssyncset.done @!p0 $0x0  }
0xb9: {  	[sflag:s0] =	ssyncadd.s32 @!p0 s1  }
0xba: {  	[bflag:$0x3] =	sbarrier.arrive $0xFFFF  }
0xbb: {  	_ =	shalt  }

// kernel: kernel.8.cloned.1.call-start
scs
__scs_entry_jumppad:
0x0: {  	(pc) =	sbr.rel $0x88, $3  }
0x1: {  	(tag) =	ssettag $0x0;
	lr =	simm.s32 $0x1  }
0x2: {  	[smem:$0x3F9B] =	sst lr;
	_ =	strace $0xD0000000  }
0x3: {  	_ = 	snop  }
0x4: {  	_ = 	snop  }
0x5: {  	_ = 	snop  }
0x6: {  	_ = 	snop  }
0x7: {  	_ = 	snop  }
__scs_overlays_trampoline_lowered:
0x8: {  	[smem:$0x3FAA] =	sst s0  }
0x9: {  	[smem:$0x3FAB] =	sst s1  }
0xa: {  	[smem:$0x3FAC] =	sst s2  }
0xb: {  	[smem:$0x3FAD] =	sst s3  }
0xc: {  	[smem:$0x3FAE] =	sst s4  }
0xd: {  	[smem:$0x3FAF] =	sst s5  }
0xe: {  	[smem:$0x3FB0] =	sst s6  }
0xf: {  	[smem:$0x3FB1] =	sst s7  }
0x10: {  	[smem:$0x3FB2] =	sst s8  }
0x11: {  	[smem:$0x3FB3] =	sst s9;
	s0 =	simm.s32 @!p0 $0x0  }
0x12: {  	s1 =	sld [smem:$0x3F99];
	s0 =	simm.s32 @p0 $0x1  }
0x13: {  	[smem:$0x3FB4] =	sst s0;
	s0 =	simm.s32 @!p1 $0x0  }
0x14: {  	s2 =	sld [smem:$0x3F98];
	s0 =	simm.s32 @p1 $0x1  }
0x15: {  	[smem:$0x3FB5] =	sst s0;
	s0 =	simm.s32 @!p2 $0x0  }
0x16: {  	s3 =	sld [smem:$0x3FDB];
	s0 =	simm.s32 @p2 $0x1  }
0x17: {  	s4 =	simm.s32 $0x1BF5;
	[smem:$0x3FB7] =	sst s0  }
0x18: {  	s0 =	sld [smem:$0x3F9A];
	_ =	swait.ge [sflag:s4], $0x0  }
0x19: {  	s7 =	sld [smem:$0x3F9B]  }
0x1a: {  	s8 =	sadd.s32 $0xFFFFE003, lr  }
0x1b: {  	s9 =	sadd.s32 $0xFFFFFEF7, lr;
	s5 =	simm.s32 $0xFFFFFFFF;
	p2 =	slt.u32 s8, $0xFFFFF086  }
0x1c: {  	p1 =	slt.u32 s9, $0xF7A;
	s5 =	simm.s32 @!p2 $0x0  }
0x1d: {  	s5 =	simm.s32 @p1 $0x1;
	p0 =	seq.s32 s7, s2  }
0x1e: {  	s7 =	smul.u32 @!p0 $0xF7A, s2;
	p2 =	seq.s32 @!p0 s5, $0x0  }
0x1f: {  	s9 =	smul.u32 $0xF7A, s1;
	s8 =	simm.s32 @!p0 $0x1BF5;
	p2 =	por !p2, p0  }
0x20: {  	[sflag:s8] =	ssyncset.s32 @!p0 $0xFFFFF086;
	s6 =	sadd.s32 @!p0 s3, s7;
	s7 =	simm.s32 @!p0 $0x108  }
0x21: {  	s3 =	sadd.s32 s3, s9;
	s6 =	sadd.s32 @!p0 $0x88, s6;
	s7 =	simm.s32 @p2 $0x1082  }
0x22: {  	[simem:s7], [sflag:s8] =	dma.local @!p0 [hbm:s6], $0xF7A  }
0x23: {  	s9 =	sor.u32 $0xD0000000, s2;
	s6 =	simm.s32 $0x108;
	_ =	swait.ge @!p0 [sflag:s8], $0x0  }
0x24: {  	s3 =	sadd.s32 $0x88, s3;
	s6 =	simm.s32 @!p1 $0x1082;
	[sflag:s4] =	ssyncset.s32 $0xFFFFF086  }
0x25: {  	[simem:s6], [sflag:s4] =	dma.local [hbm:s3], $0xF7A  }
0x26: {  	[smem:$0x3F9B] =	sst s1;
	(tag) =	ssettag s2;
	_ =	strace s9  }
0x27: {  	s1 =	sld [smem:$0x3FAB]  }
0x28: {  	s2 =	sld [smem:$0x3FAC]  }
0x29: {  	s4 =	sld [smem:$0x3FAE]  }
0x2a: {  	p0 =	seq.s32 s5, $0x0;
	s5 =	sld [smem:$0x3FAF]  }
0x2b: {  	s6 =	sld [smem:$0x3FB0]  }
0x2c: {  	s7 =	sld [smem:$0x3FB1]  }
0x2d: {  	s3 =	simm.s32 $0x108;
	s8 =	sld [smem:$0x3FB2]  }
0x2e: {  	s3 =	simm.s32 @!p0 $0x1082;
	s9 =	sld [smem:$0x3FB3]  }
0x2f: {  	lr =	sadd.s32 s0, s3;
	s0 =	sld [smem:$0x3FAA]  }
0x30: {  	s3 =	sld [smem:$0x3FAD]  }
0x31: {  	[smem:$0x3FB6] =	sst s10  }
0x32: {  	s10 =	sld [smem:$0x3FB4];
	_ =	sdelay $0x3  }
0x33: {  	p0 =	seq.s32 s10, $0x1;
	s10 =	sld [smem:$0x3FB6];
	_ =	sdelay $0x3  }
0x34: {  	[smem:$0x3FB6] =	sst s10  }
0x35: {  	s10 =	sld [smem:$0x3FB5];
	_ =	sdelay $0x3  }
0x36: {  	p1 =	seq.s32 s10, $0x1;
	s10 =	sld [smem:$0x3FB6];
	_ =	sdelay $0x3  }
0x37: {  	[smem:$0x3FB6] =	sst s10  }
0x38: {  	s10 =	sld [smem:$0x3FB7]  }
0x39: {  	_ = 	snop;
	(pc) =	sbr.ind lr, $3  }
0x3a: {  	_ = 	snop  }
0x3b: {  	_ = 	snop  }
0x3c: {  	p2 =	seq.s32 s10, $0x1;
	s10 =	sld [smem:$0x3FB6]  }
0x3d: {  	_ =	shalt  }
0x3e: {  	_ =	shalt  }
0x3f: {  	_ =	shalt  }
0x40: {  	_ =	shalt  }
0x41: {  	_ =	shalt  }
0x42: {  	_ =	shalt  }
0x43: {  	_ =	shalt  }
0x44: {  	_ =	shalt  }
0x45: {  	_ =	shalt  }
0x46: {  	_ =	shalt  }
0x47: {  	_ =	shalt  }
0x48: {  	_ =	shalt  }
0x49: {  	_ =	shalt  }
0x4a: {  	_ =	shalt  }
0x4b: {  	_ =	shalt  }
0x4c: {  	_ =	shalt  }
0x4d: {  	_ =	shalt  }
0x4e: {  	_ =	shalt  }
0x4f: {  	_ =	shalt  }
0x50: {  	_ =	shalt  }
0x51: {  	_ =	shalt  }
0x52: {  	_ =	shalt  }
0x53: {  	_ =	shalt  }
0x54: {  	_ =	shalt  }
0x55: {  	_ =	shalt  }
0x56: {  	_ =	shalt  }
0x57: {  	_ =	shalt  }
0x58: {  	_ =	shalt  }
0x59: {  	_ =	shalt  }
0x5a: {  	_ =	shalt  }
0x5b: {  	_ =	shalt  }
0x5c: {  	_ =	shalt  }
0x5d: {  	_ =	shalt  }
0x5e: {  	_ =	shalt  }
0x5f: {  	_ =	shalt  }
0x60: {  	_ =	shalt  }
0x61: {  	_ =	shalt  }
0x62: {  	_ =	shalt  }
0x63: {  	_ =	shalt  }
0x64: {  	_ =	shalt  }
0x65: {  	_ =	shalt  }
0x66: {  	_ =	shalt  }
0x67: {  	_ =	shalt  }
0x68: {  	_ =	shalt  }
0x69: {  	_ =	shalt  }
0x6a: {  	_ =	shalt  }
0x6b: {  	_ =	shalt  }
0x6c: {  	_ =	shalt  }
0x6d: {  	_ =	shalt  }
0x6e: {  	_ =	shalt  }
0x6f: {  	_ =	shalt  }
0x70: {  	_ =	shalt  }
0x71: {  	_ =	shalt  }
0x72: {  	_ =	shalt  }
0x73: {  	_ =	shalt  }
0x74: {  	_ =	shalt  }
0x75: {  	_ =	shalt  }
0x76: {  	_ =	shalt  }
0x77: {  	_ =	shalt  }
0x78: {  	_ =	shalt  }
0x79: {  	_ =	shalt  }
0x7a: {  	_ =	shalt  }
0x7b: {  	_ =	shalt  }
0x7c: {  	_ =	shalt  }
0x7d: {  	_ =	shalt  }
0x7e: {  	_ =	shalt  }
0x7f: {  	_ =	shalt  }
0x80: {  	_ =	shalt  }
0x81: {  	_ =	shalt  }
0x82: {  	_ =	shalt  }
0x83: {  	_ =	shalt  }
0x84: {  	_ =	shalt  }
0x85: {  	_ =	shalt  }
0x86: {  	_ =	shalt  }
0x87: {  	_ =	shalt  }
.Lfunc_end0:
.L_simem_size_0:
called_computation_lowered:
.L_overlay_start_0:
0x88: {  	s2 =	sld [smem:$0x3FD9]  }
0x89: {  	s3 =	sld [smem:$0x3FFE];
	_ =	sdelay $0x1  }
0x8a: {  	s1 =	srdreg.scid  }
0x8b: {  	s0 =	sand.u32 $0x1, s1  }
0x8c: {  	s17 =	sshll.u32 s0, $0xA;
	s2 =	sadd.s32 s3, s2  }
0x8d: {  	s2 =	sadd.s32 s2, s17  }
0x8e: {  	[smem:$0x3FC2] =	sst s2  }
0x8f: {  	_ = 	snop  }
0x90: {  	s2 =	sld [smem:$0x3FC8]  }
0x91: {  	s18 =	sld [smem:$0x3FD0];
	(tm) =	ssettm $0x1  }
0x92: {  	s4 =	sld [smem:$0x3FFB];
	_ =	sdelay $0x3  }
0x93: {  	_ =	strace s4  }
0x94: {  	s4 =	sld [smem:$0x3FFC];
	_ =	sdelay $0x3  }
0x95: {  	_ =	strace s4  }
0x96: {  	s4 =	sld [smem:$0x3FFD];
	_ =	sdelay $0x3  }
0x97: {  	_ =	strace s4  }
0x98: {  	_ =	strace $0x8FFFFFFF  }
0x99: {  	s19 =	sld [smem:$0x3FDB];
	_ =	sdelay $0x1  }
0x9a: {  	s5 =	simm.s32 $_scs_section_size  }
0x9b: {  	s6 =	simm.s32 $_size__tile_overlayer_lowered;
	s7 =	simm.s32 $_tile_overlayer_lowered  }
0x9c: {  	s22 =	simm.s32 $0x1BFF;
	s21 =	sshll.u32 s7, $0x1;
	s4 =	sadd.s32 s5, s19  }
0x9d: {  	s8 =	simm.s32 $0x0;
	s20 =	sshll.u32 s6, $0x1;
	s6 =	sadd.s32 s21, s4  }
0x9e: {  	[timem:s8], [sflag:s22] =	dma.local [hbm:s6], s20  }
0x9f: {  	_ =	swait.ge [sflag:s22], s20  }
0xa0: {  	s5 =	ssub.s32 $0x0, s20;
	[sflag:s22] =	ssyncset.done $0x0  }
0xa1: {  	[sflag:s22] =	ssyncadd.s32 s5;
	_ =	sdelay $0x1  }
0xa2: {  	s23 =	simm.s32 $0x1B8B  }
0xa3: {  	_ =	swait.ge [sflag:s23], $0x1  }
0xa4: {  	[sflag:s23] =	ssyncset.done $0x0  }
0xa5: {  	s25 =	simm.s32 $0x1B8E;
	s24 =	sld [smem:$0x3FFE];
	[sflag:s23] =	ssyncadd.s32 $0xFFFFFFFF  }
0xa6: {  	s26 =	simm.s32 $execute0_lowered;
	[smem:$0x3FD2] =	sst s25  }
0xa7: {  	s6 =	sshll.u32 s26, $0x1;
	_ =	strace $0x80000046;
	[dreg:$0x1] =	wrdreg $0xFFFFFFFF  }
0xa8: {  	s28 =	simm.s32 $_size_execute0_lowered;
	s4 =	sadd.s32 s4, s6;
	[dreg:$0x0] =	wrdreg $0x0  }
0xa9: {  	s6 =	sshll.u32 s28, $0x1;
	[dreg:$0x2] =	wrdreg s4  }
0xaa: {  	[dreg:$0x3] =	wrdreg s6  }
0xab: {  	[dreg:$0x4] =	wrdreg $0xC0  }
0xac: {  	_ =	task [dreg:s8], $0x5FFFF  }
0xad: {  	[dreg:$0x1] =	wrdreg $0xFFFFFFFF  }
0xae: {  	[dreg:$0x0] =	wrdreg $0x60  }
0xaf: {  	[dreg:$0x2] =	wrdreg s2  }
0xb0: {  	[dreg:$0x3] =	wrdreg s24  }
0xb1: {  	[dreg:$0x4] =	wrdreg s18  }
0xb2: {  	[dreg:$0x5] =	wrdreg $0x42000  }
0xb3: {  	[dreg:$0x6] =	wrdreg $0x9  }
0xb4: {  	_ =	task.clear_ibuf [dreg:s8], $0x7FFFF;
	_ =	strace $0x90000046  }
0xb5: {  	s29 =	simm.s32 $0x9;
	_ =	strace $0x80000048  }
0xb6: {  	_ =	swait.ge [sflag:s29], $0x1  }
0xb7: {  	[sflag:s29] =	ssyncadd.s32 $0xFFFFFFFF  }
0xb8: {  	_ =	strace $0x90000048  }
0xb9: {  	_ =	sfence  }
0xba: {  	s30 =	sld [smem:$0x0];
	_ =	sdelay $0x2  }
0xbb: {  	s31 =	sshll.u32 s1, $0xD;
	s1 =	sshrl.u32 s1, $0x2  }
0xbc: {  	s3 =	sand.u32 $0x4000, s31;
	s1 =	sadd.s32 s1, s30  }
0xbd: {  	s0 =	sor.u32 s3, s0;
	s1 =	sshll.u32 s1, $0x11  }
0xbe: {  	s0 =	sor.u32 s1, s0  }
0xbf: {  	s0 =	sadd.s32 $0x8F2B, s0  }
0xc0: {  	[sflag:s0] =	ssyncadd.remote.s32 $0x1  }
0xc1: {  	_ =	sfence.sel $0xFFFF  }
0xc2: {  	[dreg:$0x0] =	wrdreg $0xFFFFFFFF;
	(pc) =	sbr.abs _section_cstart, $3  }
0xc3: {  	[dreg:$0x1] =	wrdreg $0xFFFFFFFF  }
0xc4: {  	_ =	task.clear_ibuf [dreg:s8], $0x2FFFF;
	_ =	strace $0x9FFFFFFF  }
0xc5: {  	(tm) =	ssettm $0x7FFFFFFF  }
tec
execute0_lowered:
.L_overlay_start_1:
0x0: {  	(tag) =	ssettag $0x1  }
0x1: {  	s0 =	rddreg [dreg:$0x0]  }
0x2: {  	s6 =	rddreg [dreg:$0x1]  }
0x3: {  	s1 =	rddreg [dreg:$0x2]  }
0x4: {  	s2 =	rddreg [dreg:$0x3];
	s4 =	simm.s32 $0x0  }
0x5: {  	s5 =	srdreg.scid;
	s3 =	stileid.u32;
	s21 =	simm.s32 $0x200  }
0x6: {  	s28 =	simm.s32 $0x1;
	s29 =	simm.s32 $0x2;
	s31 =	simm.s32 $0x0  }
0x7: {  	[smem:$0x7FF] =	sst s4;
	s16 =	sand.u32 $0x1, s5;
	s5 =	sadd.s32 $0x2400, s6  }
0x8: {  	s8 =	smul.u32 $0x4E000, s3;
	s12 =	sadd.s32 $0x4C00, s6;
	s11 =	sshll.u32 s3, $0x5  }
0x9: {  	s18 =	smul.u32 $0x2700, s3;
	s20 =	sshll.u32 s3, $0x8;
	p0 =	seq.s32 s3, $0xF  }
0xa: {  	s26 =	sshll.u32 s3, $0x7;
	_ =	strace $0x80000047;
	s23 =	smul.u32 $0x138800, s16  }
0xb: {  	s7 =	ssub.s32 $0x2, s16;
	s9 =	sshll.u32 s16, $0x4;
	s15 =	smul.u32 $0x27100, s16  }
0xc: {  	s11 =	sadd.s32 s11, s0;
	s19 =	sshll.u32 s16, $0xC;
	s25 =	sshll.u32 s16, $0xB  }
0xd: {  	s22 =	sshrl.u32 s7, $0x1;
	s17 =	sor.u32 s3, s9;
	s8 =	sshrl.u32 s8, $0x2  }
0xe: {  	s9 =	sadd.s32 $0x400, s0;
	s11 =	sadd.s32 $0x13800, s11;
	s24 =	sor.u32 s20, s19  }
0xf: {  	s30 =	sor.u32 s26, s25;
	s19 =	sshll.u32 @!p0 s3, $0x6;
	s25 =	simm.s32 $0x4  }
0x10: {  	s26 =	simm.s32 $0x180;
	s13 =	ssub.s32 s7, s22;
	s6 =	sadd.s32 s8, s2  }
0x11: {  	s14 =	sshll.u32 s17, $0x5;
	s7 =	sadd.s32 $0x124800, s2;
	s10 =	sshrl.u32 s23, $0x3  }
0x12: {  	s15 =	sadd.s32 s18, s15;
	s18 =	sor.u32 $0x8000, s24;
	s19 =	sor.u32 @!p0 $0x1C03, s19  }
0x13: {  	s22 =	simm.s32 $0x3;
	s23 =	simm.s32 $0x80;
	s24 =	simm.s32 $0x100  }
.Ltmp0:
0x14: {  	p1 =	sgt.u32 s17, $0x3;
	s8 =	sadd.s32 s0, s14;
	(pc) =	sbr.rel .LBB2_1-.Ltmp0, $4  }
0x15: {  	s10 =	sadd.s32 s12, s10;
	s12 =	sadd.s32 s12, s15;
	s13 =	smax.u32 s13, $0x1  }
0x16: {  	s14 =	sadd.s32 s14, s9;
	s18 =	sshrl.u32 s18, $0x3;
	s20 =	sshrl.u32 @!p0 s6, $0x3  }
0x17: {  	s10 =	sadd.s32 $0x24900, s10;
	s15 =	sadd.s32 $0x800, s8;
	s16 =	sadd.s32 s18, s0  }
0x18: {  	s0 =	sor.u32 $0x2000, s30;
	s18 =	sshrl.u32 @p0 s7, $0x3;
	[dreg:$0x5] =	wrdreg s10  }
.LBB2_8:
0x19: {  	s10 =	sshrl.u32 s7, $0x3;
	s17 =	rddreg [dreg:$0x5];
	s30 =	simm.s32 $0x1FC3  }
0x1a: {  	[hbm:s17], [sflag:s30] =	dma.local [spmem:s10], $0x2800  }
0x1b: {  	_ =	swait.ge [sflag:s22], $0x2800  }
0x1c: {  	[sflag:s22] =	ssyncset.done $0x0  }
0x1d: {  	[sflag:s22] =	ssyncadd.s32 $0xFFFFD800  }
.LBB2_9:
0x1e: {  	s31 =	sadd.s32 $0x1, s31  }
0x1f: {  	p2 =	sne.s32 s31, s13  }
.Ltmp1:
0x20: {  	_ = 	snop;
	(pc) =	sbr.rel @!p2 .LBB2_10-.Ltmp1, $1  }
0x21: {  	_ =	sdelay $0x3  }
.LBB2_1:
0x22: {  	s17 =	simm.s32 @p0 $0x1FC3  }
0x23: {  	[spmem:s18], [sflag:s17] =	dma.local @p0 [hbm:s5], $0x2800  }
0x24: {  	s17 =	simm.s32 @p0 $0x3  }
0x25: {  	_ =	swait.ge @p0 [sflag:s17], $0x2800  }
0x26: {  	[sflag:s17] =	ssyncset.done @p0 $0x0  }
0x27: {  	[sflag:s17] =	ssyncadd.s32 @p0 $0xFFFFD800;
	s17 =	simm.s32 @!p0 $0x3  }
0x28: {  	[spmem:s20], [sflag:s19] =	dma.local @!p0 [hbm:s5], $0x2700  }
0x29: {  	_ =	swait.ge @!p0 [sflag:s17], $0x2700  }
0x2a: {  	[sflag:s17] =	ssyncset.done @!p0 $0x0  }
0x2b: {  	[sflag:s17] =	ssyncadd.s32 @!p0 $0xFFFFD900  }
0x2c: {  	[tilespmem:s21], [sflag:$0x3] =	stream.linear.gather [hbm4b:s1+s4], $0x4000, $0x38;
	[tilespmem:$0x17A80] =	vst v63  }
0x2d: {  	_ =	swait.ge [sflag:s22], $0x4000  }
0x2e: {  	[sflag:s22] =	ssyncset.done $0x0  }
0x2f: {  	[sflag:s22] =	ssyncadd.s32 $0xFFFFC000  }
0x30: {  	[bflag:$0x0] =	sbarrier.arrive $0xFFFF  }
0x31: {  	[tilespmem:s4], [sflag:$0x3] =	stream.linear.gather [hbm4b:s8+s4], $0x100, $0x38;
	[tilespmem:$0x17A80] =	vst v63  }
0x32: {  	_ =	swait.ge [sflag:s22], $0x100  }
0x33: {  	[sflag:s22] =	ssyncset.done $0x0  }
0x34: {  	[sflag:s22] =	ssyncadd.s32 $0xFFFFFF00  }
0x35: {  	[spmem:s2] =	stream.indirect.scatter.add.f32 [tilespmem:s21], [sflag:$0x1], $0x80, s23, s23, $0xb8;
	[tilespmem:$0x17A80] =	vst v63  }
0x36: {  	_ = 	snop  }
0x37: {  	[tilespmem:s24], [sflag:$0x4] =	stream.linear.gather [hbm4b:s14+s4], $0x100, $0x38;
	[tilespmem:$0x17A80] =	vst v63  }
0x38: {  	_ =	swait.ge [sflag:s25], $0x100  }
0x39: {  	[sflag:s25] =	ssyncset.done $0x0  }
0x3a: {  	[sflag:s25] =	ssyncadd.s32 $0xFFFFFF00  }
0x3b: {  	[spmem:s2] =	stream.indirect.scatter.add.f32 [tilespmem:s21], [sflag:$0x2], $0x80, s26, s23, $0xb8;
	[tilespmem:$0x17A80] =	vst v63  }
0x3c: {  	_ =	swait.ge [sflag:s28], $0x4000  }
0x3d: {  	[sflag:s28] =	ssyncset.done $0x0  }
0x3e: {  	[sflag:s28] =	ssyncadd.s32 $0xFFFFC000  }
0x3f: {  	[tilespmem:s4], [sflag:$0x3] =	stream.linear.gather [hbm4b:s15+s4], $0x100, $0x38;
	[tilespmem:$0x17A80] =	vst v63  }
0x40: {  	_ =	swait.ge [sflag:s22], $0x100  }
0x41: {  	[sflag:s22] =	ssyncset.done $0x0  }
0x42: {  	s30 =	simm.s32 $0x0;
	s17 =	smov.u32 s0;
	[sflag:s22] =	ssyncadd.s32 $0xFFFFFF00  }
.LBB2_2:
0x43: {  	[spmem:s2] =	stream.indirect.scatter.add.f32 [tilespmem:s21], [sflag:$0x1], $0x80, s23, s23, $0xb8;
	[tilespmem:$0x17A80] =	vst v63  }
0x44: {  	_ =	swait.ge [sflag:s29], $0x4000  }
0x45: {  	s10 =	sshrl.u32 s17, $0x2;
	[sflag:s29] =	ssyncset.done $0x0  }
0x46: {  	s10 =	sadd.s32 s10, s9;
	[sflag:s29] =	ssyncadd.s32 $0xFFFFC000  }
0x47: {  	[tilespmem:s24], [sflag:$0x4] =	stream.linear.gather [hbm4b:s10+s4], $0x100, $0x38;
	[tilespmem:$0x17A80] =	vst v63  }
0x48: {  	_ =	swait.ge [sflag:s25], $0x100  }
0x49: {  	p2 =	seq.s32 s30, $0x12800;
	[sflag:s25] =	ssyncset.done $0x0  }
.Ltmp2:
0x4a: {  	[sflag:s25] =	ssyncadd.s32 $0xFFFFFF00;
	(pc) =	sbr.rel @p2 .LBB2_4-.Ltmp2, $4  }
0x4b: {  	[spmem:s2] =	stream.indirect.scatter.add.f32 [tilespmem:s21], [sflag:$0x2], $0x80, s26, s23, $0xb8;
	[tilespmem:$0x17A80] =	vst v63  }
0x4c: {  	_ =	swait.ge [sflag:s28], $0x4000  }
0x4d: {  	[sflag:s28] =	ssyncset.done $0x0  }
0x4e: {  	[sflag:s28] =	ssyncadd.s32 $0xFFFFC000  }
.Ltmp3:
0x4f: {  	s10 =	sadd.s32 s30, s16;
	(pc) =	sbr.rel .LBB2_2-.Ltmp3, $4  }
0x50: {  	[tilespmem:s4], [sflag:$0x3] =	stream.linear.gather [hbm4b:s10+s4], $0x100, $0x38;
	[tilespmem:$0x17A80] =	vst v63  }
0x51: {  	_ =	swait.ge [sflag:s22], $0x100  }
0x52: {  	[sflag:s22] =	ssyncset.done $0x0  }
0x53: {  	s30 =	sadd.s32 $0x800, s30;
	s17 =	sadd.s32 $0x2000, s17;
	[sflag:s22] =	ssyncadd.s32 $0xFFFFFF00  }
.LBB2_4:
.Ltmp4:
0x54: {  	(pc) =	sbr.rel @p1 .LBB2_6-.Ltmp4, $4  }
0x55: {  	_ = 	snop  }
0x56: {  	_ =	swait.ge [sflag:s29], $0x4000  }
0x57: {  	[sflag:s29] =	ssyncset.done $0x0  }
0x58: {  	[sflag:s29] =	ssyncadd.s32 $0xFFFFC000  }
0x59: {  	[tilespmem:s4], [sflag:$0x3] =	stream.linear.gather [hbm4b:s11+s4], $0x100, $0x38;
	[tilespmem:$0x17A80] =	vst v63  }
0x5a: {  	_ =	swait.ge [sflag:s22], $0x100  }
0x5b: {  	[sflag:s22] =	ssyncset.done $0x0  }
0x5c: {  	[sflag:s22] =	ssyncadd.s32 $0xFFFFFF00  }
0x5d: {  	[spmem:s2] =	stream.indirect.scatter.add.f32 [tilespmem:s21], [sflag:$0x3], $0x80, s23, s23, $0xb8;
	[tilespmem:$0x17A80] =	vst v63  }
.Ltmp5:
0x5e: {  	_ =	swait.ge [sflag:s22], $0x4000;
	(pc) =	sbr.rel .LBB2_7-.Ltmp5, $3  }
0x5f: {  	[sflag:s22] =	ssyncset.done $0x0  }
0x60: {  	[sflag:s22] =	ssyncadd.s32 $0xFFFFC000  }
0x61: {  	[bflag:$0x0] =	sbarrier.arrive $0xFFFF;
	_ =	sdelay $0x1  }
.LBB2_6:
.Ltmp6:
0x62: {  	(pc) =	sbr.rel @p0 .LBB2_8-.Ltmp6, $2  }
0x63: {  	_ =	sdelay $0x1  }
0x64: {  	[bflag:$0x0] =	sbarrier.arrive $0xFFFF;
	_ =	sdelay $0x1  }
.LBB2_7:
0x65: {  	s10 =	sshll.u32 s3, $0x6  }
.Ltmp7:
0x66: {  	s17 =	sshrl.u32 s6, $0x3;
	s10 =	sor.u32 $0x1C03, s10;
	(pc) =	sbr.rel .LBB2_9-.Ltmp7, $4  }
0x67: {  	[hbm:s12], [sflag:s10] =	dma.local [spmem:s17], $0x2700  }
0x68: {  	_ =	swait.ge [sflag:s22], $0x2700  }
0x69: {  	[sflag:s22] =	ssyncset.done $0x0  }
0x6a: {  	[sflag:s22] =	ssyncadd.s32 $0xFFFFD900  }
.LBB2_10:
0x6b: {  	_ =	sfence.sel $0x180000  }
0x6c: {  	[bflag:$0x0] =	sbarrier.arrive $0xFFFF  }
0x6d: {  	_ =	strace $0x90000047  }
0x6e: {  	[bflag:$0x2] =	sbarrier.arrive $0xFFFF  }
0x6f: {  	p0 =	sne.s32 s3, $0x0;
	s0 =	rddreg [dreg:$0x4]  }
0x70: {  	s0 =	sadd.s32 @!p0 $0x100000, s0  }
0x71: {  	[sflag:s0] =	ssyncadd.tile.s32 @!p0 $0x1;
	_ =	shalt  }
.Lfunc_end2:
_tile_overlayer_lowered:
.L_overlay_start_2:
0x72: {  	(tag) =	ssettag $0x2  }
0x73: {  	s0 =	rddreg [dreg:$0x0];
	s2 =	stileid.u32  }
0x74: {  	s1 =	rddreg [dreg:$0x1];
	p0 =	sne.s32 s2, $0x0  }
0x75: {  	s3 =	rddreg [dreg:$0x2];
	[bflag:$0x3] =	sbarrier.arrive $0xFFFF;
	s2 =	simm.s32 @!p0 $0x1C03  }
0x76: {  	[timem:s3], [sflag:s2] =	dma.local @!p0 [hbm:s0], s1  }
0x77: {  	s0 =	simm.s32 @!p0 $0x3  }
0x78: {  	_ =	swait.ge @!p0 [sflag:s0], s1  }
0x79: {  	s1 =	ssub.s32 @!p0 $0x0, s1;
	[sflag:s0] =	ssyncset.done @!p0 $0x0  }
0x7a: {  	[sflag:s0] =	ssyncadd.s32 @!p0 s1  }
0x7b: {  	[bflag:$0x3] =	sbarrier.arrive $0xFFFF  }
0x7c: {  	_ =	shalt  }

</sc_bundles>
